<compile_context>
chip_gen: v7x
topology: tpu7x:2x2x1
jax: 0.10.2.dev20260603
libtpu: 0.0.44.dev20260713+nightly
codegen_flags: <defaults>
</compile_context>

<pallas_src>
import functools

import jax
import jax.numpy as jnp
from jax import lax
from jax.experimental import pallas as pl
from jax.experimental.pallas import tpu as pltpu
from jax.experimental.pallas import tpu_sc as plsc

B = 320000
D = 128
N = 10000
W = 64
NC, NS, L = 2, 16, 16
NW = NC * NS
E_W = B // NW
E = 200
N_CHUNK = E_W // E
N_PAIR = N_CHUNK // 2
N_STAGE = N // NS


def _edge_dot_kernel(zp_hbm, src_hbm, dst_hbm, out_hbm,
                     zsh, sidx_v, didx_v,
                     sbuf_a, dbuf_a, sbuf_b, dbuf_b, out_v,
                     sem_i, sem_a, sem_b):
    c = lax.axis_index("c")
    s = lax.axis_index("s")
    wid = s * NC + c
    base_w = wid * E_W
    lane = lax.iota(jnp.int32, L)
    m15 = lane == 15

    pltpu.async_copy(src_hbm.at[pl.ds(base_w, E_W)], sidx_v, sem_i)
    pltpu.async_copy(dst_hbm.at[pl.ds(base_w, E_W)], didx_v, sem_i)
    pltpu.sync_copy(zp_hbm.at[pl.ds(s * N_STAGE, N_STAGE)],
                    zsh.at[pl.ds(s * N_STAGE, N_STAGE)])
    pltpu.make_async_copy(src_hbm.at[pl.ds(0, E_W)], sidx_v, sem_i).wait()
    pltpu.make_async_copy(src_hbm.at[pl.ds(0, E_W)], didx_v, sem_i).wait()
    plsc.subcore_barrier()

    H = 104

    def issue(k, sbuf, dbuf, sem):
        pltpu.async_copy(zsh.at[sidx_v.at[pl.ds(k * E, H)]],
                         sbuf.at[pl.ds(0, H)], sem)
        pltpu.async_copy(zsh.at[didx_v.at[pl.ds(k * E, H)]],
                         dbuf.at[pl.ds(0, H)], sem)
        pltpu.async_copy(zsh.at[sidx_v.at[pl.ds(k * E + H, E - H)]],
                         sbuf.at[pl.ds(H, E - H)], sem)
        pltpu.async_copy(zsh.at[didx_v.at[pl.ds(k * E + H, E - H)]],
                         dbuf.at[pl.ds(H, E - H)], sem)

    def wait(sbuf, dbuf, sem):
        pltpu.make_async_copy(zsh.at[pl.ds(0, H)],
                              sbuf.at[pl.ds(0, H)], sem).wait()
        pltpu.make_async_copy(zsh.at[pl.ds(0, H)],
                              dbuf.at[pl.ds(0, H)], sem).wait()
        pltpu.make_async_copy(zsh.at[pl.ds(0, E - H)],
                              sbuf.at[pl.ds(H, E - H)], sem).wait()
        pltpu.make_async_copy(zsh.at[pl.ds(0, E - H)],
                              dbuf.at[pl.ds(H, E - H)], sem).wait()

    cols = [lane + (16 * k) for k in range(W // L)]
    rowzero = jnp.zeros((L,), jnp.int32)

    def compute(k, sbuf, dbuf):
        @plsc.parallel_loop(0, E, 1, unroll=2)
        def _(e):
            base = jnp.full((L,), e * W, jnp.int32)
            acc = None
            for q in range(W // L):
                idx = base + cols[q]
                sv = plsc.bitcast(plsc.load_gather(sbuf, [rowzero, idx]),
                                  jnp.bfloat16)
                dv = plsc.bitcast(plsc.load_gather(dbuf, [rowzero, idx]),
                                  jnp.bfloat16)
                p = sv * dv
                acc = p if acc is None else acc + p
            lo, hi = plsc.unpack(acc, format=plsc.PackFormat.INTERLEAVED)
            tot = plsc.cumsum(lo.astype(jnp.float32) + hi.astype(jnp.float32))
            plsc.store_scatter(out_v, [jnp.full((L,), k * E, jnp.int32) + e],
                               tot, mask=m15)

    issue(0, sbuf_a, dbuf_a, sem_a)
    issue(1, sbuf_b, dbuf_b, sem_b)

    def pair_body(p, _):
        ka = 2 * p
        wait(sbuf_a, dbuf_a, sem_a)
        compute(ka, sbuf_a, dbuf_a)

        @pl.when(p < N_PAIR - 1)
        def _():
            issue(ka + 2, sbuf_a, dbuf_a, sem_a)

        wait(sbuf_b, dbuf_b, sem_b)

        compute(ka + 1, sbuf_b, dbuf_b)

        @pl.when(p < N_PAIR - 1)
        def _():
            issue(ka + 3, sbuf_b, dbuf_b, sem_b)

        return 0

    lax.fori_loop(0, N_PAIR, pair_body, 0)

    pltpu.sync_copy(out_v, out_hbm.at[pl.ds(base_w, E_W)])


@jax.jit
def kernel(z, edge_index):
    zp = lax.bitcast_convert_type(
        z.astype(jnp.bfloat16).reshape(N, W, 2), jnp.int32)
    src = edge_index[0].astype(jnp.int32)
    dst = edge_index[1].astype(jnp.int32)
    mesh = plsc.VectorSubcoreMesh(core_axis_name="c", subcore_axis_name="s")
    run = functools.partial(
        pl.kernel,
        mesh=mesh,
        out_type=jax.ShapeDtypeStruct((B,), jnp.float32),
        compiler_params=pltpu.CompilerParams(
            use_tc_tiling_on_sc=False, needs_layout_passes=False),
        scratch_types=[
            pltpu.VMEM_SHARED((N, W), jnp.int32),
            pltpu.VMEM((E_W,), jnp.int32),
            pltpu.VMEM((E_W,), jnp.int32),
            pltpu.VMEM((E, W), jnp.int32),
            pltpu.VMEM((E, W), jnp.int32),
            pltpu.VMEM((E, W), jnp.int32),
            pltpu.VMEM((E, W), jnp.int32),
            pltpu.VMEM((E_W,), jnp.float32),
            pltpu.SemaphoreType.DMA,
            pltpu.SemaphoreType.DMA,
            pltpu.SemaphoreType.DMA,
        ],
    )(_edge_dot_kernel)
    return run(zp, src, dst)

# --- scband reference (transcript-rebuilt; emitter-appended) ---
"""Pipeline reference for scband-graph-decoder-50328426774820 (READ-ONLY COPY).

The authoritative reference and input builder live on the scoring server;
editing this copy changes nothing except your own understanding.
"""

import jax, jax.numpy as jnp
import numpy as np


def setup_inputs(seed: int = 0) -> dict:
    key = jax.random.key(seed)
    k1, k2 = jax.random.split(key, 2)
    z = jax.random.normal(k1, (10000, 128), dtype=jnp.float32)
    edge_index = jax.random.randint(k2, (2, 320000), 0, 10000, dtype=jnp.int64)
    return {"z": z, "edge_index": edge_index}


def reference(z, edge_index):
    # GraphDecoder.forward in eval mode: dropout is a no-op (training=False).
    # value = (z[edge_index[0]] * z[edge_index[1]]).sum(dim=1); activation=None.
    src = jnp.take(z, edge_index[0], axis=0)
    dst = jnp.take(z, edge_index[1], axis=0)
    value = (src * dst).sum(axis=1)
    return value

if __name__ == "__main__":
    import jax
    _d = setup_inputs()
    print(jax.jit(kernel)(*tuple(_d.values())))

</pallas_src>

<mosaic_0001>
#map = affine_map<(d0, d1) -> (0, 0)>
#map1 = affine_map<(d0, d1) -> (0)>
module attributes {stable_mosaic.version = 14 : i64} {
  func.func @_edge_dot_kernel(%arg0: i32, %arg1: i32, %arg2: memref<10000x64xi32, #tpu.memory_space<hbm>>, %arg3: memref<320000xi32, #tpu.memory_space<hbm>>, %arg4: memref<320000xi32, #tpu.memory_space<hbm>>, %arg5: memref<320000xf32, #tpu.memory_space<hbm>>, %arg6: memref<10000x64xi32, #tpu.memory_space<vmem_shared>>, %arg7: memref<10000xi32, #tpu.memory_space<vmem>>, %arg8: memref<10000xi32, #tpu.memory_space<vmem>>, %arg9: memref<200x64xi32, #tpu.memory_space<vmem>>, %arg10: memref<200x64xi32, #tpu.memory_space<vmem>>, %arg11: memref<200x64xi32, #tpu.memory_space<vmem>>, %arg12: memref<200x64xi32, #tpu.memory_space<vmem>>, %arg13: memref<10000xf32, #tpu.memory_space<vmem>>, %arg14: memref<!tpu.dma_semaphore, #tpu.memory_space<semaphore_mem>>, %arg15: memref<!tpu.dma_semaphore, #tpu.memory_space<semaphore_mem>>, %arg16: memref<!tpu.dma_semaphore, #tpu.memory_space<semaphore_mem>>) attributes {dimension_semantics = [#tpu.dimension_semantics<core_parallel>, #tpu.dimension_semantics<subcore_parallel>], iteration_bounds = array<i64: 2, 16>, scalar_prefetch = 0 : i64, scratch_operands = 11 : i64, tpu.core_type = #tpu.core_type<sc_vector_subcore>, window_params = [{transform_indices = #map}, {transform_indices = #map1}, {transform_indices = #map1}, {transform_indices = #map1}]} {
    %mul3A = arith.constant 2 : i32
    %mul3A_0 = arith.muli %arg1, %mul3A : i32
    %add3A = arith.addi %mul3A_0, %arg0 : i32
    %mul3A_1 = arith.constant 10000 : i32
    %mul3A_2 = arith.muli %add3A, %mul3A_1 : i32
    %iota3A = tpu.iota {dimensions = array<i32: 0>} : vector<16xi32>
    %eq3A = arith.constant 15 : i32
    %eq3A_3 = vector.broadcast %eq3A : i32 to vector<16xi32>
    %eq3A_4 = arith.cmpi eq, %iota3A, %eq3A_3 : vector<16xi32>
    %dma_start3A = tpu.memref_slice %arg3[%mul3A_2] : memref<320000xi32, #tpu.memory_space<hbm>> -> memref<10000xi32, #tpu.memory_space<hbm>>
    %dma_start3A_5 = tpu.memref_slice %arg3[%mul3A_2] : memref<320000xi32, #tpu.memory_space<hbm>> -> memref<10000xi32, #tpu.memory_space<hbm>>
    tpu.enqueue_dma source(%dma_start3A_5 : memref<10000xi32, #tpu.memory_space<hbm>>) target(%arg7 : memref<10000xi32, #tpu.memory_space<vmem>>) target_semaphore(%arg14 : memref<!tpu.dma_semaphore, #tpu.memory_space<semaphore_mem>>)
    %dma_start3A_6 = tpu.memref_slice %arg4[%mul3A_2] : memref<320000xi32, #tpu.memory_space<hbm>> -> memref<10000xi32, #tpu.memory_space<hbm>>
    %dma_start3A_7 = tpu.memref_slice %arg4[%mul3A_2] : memref<320000xi32, #tpu.memory_space<hbm>> -> memref<10000xi32, #tpu.memory_space<hbm>>
    tpu.enqueue_dma source(%dma_start3A_7 : memref<10000xi32, #tpu.memory_space<hbm>>) target(%arg8 : memref<10000xi32, #tpu.memory_space<vmem>>) target_semaphore(%arg14 : memref<!tpu.dma_semaphore, #tpu.memory_space<semaphore_mem>>)
    %mul3A_8 = arith.constant 625 : i32
    %mul3A_9 = arith.muli %arg1, %mul3A_8 : i32
    %mul3A_10 = arith.constant 625 : i32
    %mul3A_11 = arith.muli %arg1, %mul3A_10 : i32
    "tpu.region"() ({
      %run_scoped3A = tpu.sem_alloc : memref<!tpu.dma_semaphore, #tpu.memory_space<semaphore_mem>>
      %dma_start3A_102 = arith.constant 0 : i32
      %dma_start3A_103 = tpu.memref_slice %arg6[%mul3A_11, %dma_start3A_102] : memref<10000x64xi32, #tpu.memory_space<vmem_shared>> -> memref<625x64xi32, #tpu.memory_space<vmem_shared>>
      %dma_start3A_104 = arith.constant 0 : i32
      %dma_start3A_105 = tpu.memref_slice %arg2[%mul3A_9, %dma_start3A_104] : memref<10000x64xi32, #tpu.memory_space<hbm>> -> memref<625x64xi32, #tpu.memory_space<hbm>>
      tpu.enqueue_dma source(%dma_start3A_105 : memref<625x64xi32, #tpu.memory_space<hbm>>) target(%dma_start3A_103 : memref<625x64xi32, #tpu.memory_space<vmem_shared>>) target_semaphore(%run_scoped3A : memref<!tpu.dma_semaphore, #tpu.memory_space<semaphore_mem>>)
      %dma_wait3A_106 = arith.constant 0 : i32
      %dma_wait3A_107 = tpu.memref_slice %arg6[%mul3A_11, %dma_wait3A_106] : memref<10000x64xi32, #tpu.memory_space<vmem_shared>> -> memref<625x64xi32, #tpu.memory_space<vmem_shared>>
      %dma_wait3A_108 = arith.constant 0 : i32
      %dma_wait3A_109 = tpu.memref_slice %arg2[%mul3A_9, %dma_wait3A_108] : memref<10000x64xi32, #tpu.memory_space<hbm>> -> memref<625x64xi32, #tpu.memory_space<hbm>>
      tpu.wait_dma2 semaphore(%run_scoped3A : memref<!tpu.dma_semaphore, #tpu.memory_space<semaphore_mem>>) src(%dma_wait3A_109 : memref<625x64xi32, #tpu.memory_space<hbm>>) dst(%dma_wait3A_107 : memref<625x64xi32, #tpu.memory_space<vmem_shared>>)
      tpu.yield
    }) : () -> ()
    %dma_wait3A = arith.constant 0 : i32
    %dma_wait3A_12 = tpu.memref_slice %arg3[%dma_wait3A] : memref<320000xi32, #tpu.memory_space<hbm>> -> memref<10000xi32, #tpu.memory_space<hbm>>
    %dma_wait3A_13 = arith.constant 0 : i32
    %dma_wait3A_14 = tpu.memref_slice %arg3[%dma_wait3A_13] : memref<320000xi32, #tpu.memory_space<hbm>> -> memref<10000xi32, #tpu.memory_space<hbm>>
    tpu.wait_dma2 semaphore(%arg14 : memref<!tpu.dma_semaphore, #tpu.memory_space<semaphore_mem>>) src(%dma_wait3A_14 : memref<10000xi32, #tpu.memory_space<hbm>>) dst(%arg7 : memref<10000xi32, #tpu.memory_space<vmem>>)
    %dma_wait3A_15 = arith.constant 0 : i32
    %dma_wait3A_16 = tpu.memref_slice %arg3[%dma_wait3A_15] : memref<320000xi32, #tpu.memory_space<hbm>> -> memref<10000xi32, #tpu.memory_space<hbm>>
    %dma_wait3A_17 = arith.constant 0 : i32
    %dma_wait3A_18 = tpu.memref_slice %arg3[%dma_wait3A_17] : memref<320000xi32, #tpu.memory_space<hbm>> -> memref<10000xi32, #tpu.memory_space<hbm>>
    tpu.wait_dma2 semaphore(%arg14 : memref<!tpu.dma_semaphore, #tpu.memory_space<semaphore_mem>>) src(%dma_wait3A_18 : memref<10000xi32, #tpu.memory_space<hbm>>) dst(%arg8 : memref<10000xi32, #tpu.memory_space<vmem>>)
    %barrier3A = arith.constant 0 : index
    tpu.barrier barrier_id(%barrier3A)
    %add3A_19 = arith.constant 0 : i32
    %add3A_20 = vector.broadcast %add3A_19 : i32 to vector<16xi32>
    %add3A_21 = arith.addi %iota3A, %add3A_20 : vector<16xi32>
    %add3A_22 = arith.constant 16 : i32
    %add3A_23 = vector.broadcast %add3A_22 : i32 to vector<16xi32>
    %add3A_24 = arith.addi %iota3A, %add3A_23 : vector<16xi32>
    %add3A_25 = arith.constant 32 : i32
    %add3A_26 = vector.broadcast %add3A_25 : i32 to vector<16xi32>
    %add3A_27 = arith.addi %iota3A, %add3A_26 : vector<16xi32>
    %add3A_28 = arith.constant 48 : i32
    %add3A_29 = vector.broadcast %add3A_28 : i32 to vector<16xi32>
    %add3A_30 = arith.addi %iota3A, %add3A_29 : vector<16xi32>
    %broadcast_in_dim3A = arith.constant 0 : i32
    %broadcast_in_dim3A_31 = vector.broadcast %broadcast_in_dim3A : i32 to vector<16xi32>
    %dma_start3A_32 = arith.constant 0 : i32
    %dma_start3A_33 = arith.constant 0 : i32
    %dma_start3A_34 = tpu.memref_slice %arg9[%dma_start3A_32, %dma_start3A_33] : memref<200x64xi32, #tpu.memory_space<vmem>> -> memref<104x64xi32, #tpu.memory_space<vmem>>
    %dma_start3A_35 = arith.constant 0 : i32
    %dma_start3A_36 = tpu.memref_slice %arg7[%dma_start3A_35] : memref<10000xi32, #tpu.memory_space<vmem>> -> memref<104xi32, #tpu.memory_space<vmem>>
    %dma_start3A_37 = arith.constant 0 : i32
    %dma_start3A_38 = arith.constant 0 : i32
    %dma_start3A_39 = tpu.memref_slice %arg6[%dma_start3A_37, %dma_start3A_38] : memref<10000x64xi32, #tpu.memory_space<vmem_shared>> -> memref<10000x64xi32, #tpu.memory_space<vmem_shared>>
    tpu.enqueue_indirect_dma source(%dma_start3A_39 : memref<10000x64xi32, #tpu.memory_space<vmem_shared>>) target(%dma_start3A_34 : memref<104x64xi32, #tpu.memory_space<vmem>>) offsets(%dma_start3A_36 : memref<104xi32, #tpu.memory_space<vmem>>) semaphore(%arg15 : memref<!tpu.dma_semaphore, #tpu.memory_space<semaphore_mem>>)
    %dma_start3A_40 = arith.constant 0 : i32
    %dma_start3A_41 = arith.constant 0 : i32
    %dma_start3A_42 = tpu.memref_slice %arg10[%dma_start3A_40, %dma_start3A_41] : memref<200x64xi32, #tpu.memory_space<vmem>> -> memref<104x64xi32, #tpu.memory_space<vmem>>
    %dma_start3A_43 = arith.constant 0 : i32
    %dma_start3A_44 = tpu.memref_slice %arg8[%dma_start3A_43] : memref<10000xi32, #tpu.memory_space<vmem>> -> memref<104xi32, #tpu.memory_space<vmem>>
    %dma_start3A_45 = arith.constant 0 : i32
    %dma_start3A_46 = arith.constant 0 : i32
    %dma_start3A_47 = tpu.memref_slice %arg6[%dma_start3A_45, %dma_start3A_46] : memref<10000x64xi32, #tpu.memory_space<vmem_shared>> -> memref<10000x64xi32, #tpu.memory_space<vmem_shared>>
    tpu.enqueue_indirect_dma source(%dma_start3A_47 : memref<10000x64xi32, #tpu.memory_space<vmem_shared>>) target(%dma_start3A_42 : memref<104x64xi32, #tpu.memory_space<vmem>>) offsets(%dma_start3A_44 : memref<104xi32, #tpu.memory_space<vmem>>) semaphore(%arg15 : memref<!tpu.dma_semaphore, #tpu.memory_space<semaphore_mem>>)
    %dma_start3A_48 = arith.constant 104 : i32
    %dma_start3A_49 = arith.constant 0 : i32
    %dma_start3A_50 = tpu.memref_slice %arg9[%dma_start3A_48, %dma_start3A_49] : memref<200x64xi32, #tpu.memory_space<vmem>> -> memref<96x64xi32, #tpu.memory_space<vmem>>
    %dma_start3A_51 = arith.constant 104 : i32
    %dma_start3A_52 = tpu.memref_slice %arg7[%dma_start3A_51] : memref<10000xi32, #tpu.memory_space<vmem>> -> memref<96xi32, #tpu.memory_space<vmem>>
    %dma_start3A_53 = arith.constant 0 : i32
    %dma_start3A_54 = arith.constant 0 : i32
    %dma_start3A_55 = tpu.memref_slice %arg6[%dma_start3A_53, %dma_start3A_54] : memref<10000x64xi32, #tpu.memory_space<vmem_shared>> -> memref<10000x64xi32, #tpu.memory_space<vmem_shared>>
    tpu.enqueue_indirect_dma source(%dma_start3A_55 : memref<10000x64xi32, #tpu.memory_space<vmem_shared>>) target(%dma_start3A_50 : memref<96x64xi32, #tpu.memory_space<vmem>>) offsets(%dma_start3A_52 : memref<96xi32, #tpu.memory_space<vmem>>) semaphore(%arg15 : memref<!tpu.dma_semaphore, #tpu.memory_space<semaphore_mem>>)
    %dma_start3A_56 = arith.constant 104 : i32
    %dma_start3A_57 = arith.constant 0 : i32
    %dma_start3A_58 = tpu.memref_slice %arg10[%dma_start3A_56, %dma_start3A_57] : memref<200x64xi32, #tpu.memory_space<vmem>> -> memref<96x64xi32, #tpu.memory_space<vmem>>
    %dma_start3A_59 = arith.constant 104 : i32
    %dma_start3A_60 = tpu.memref_slice %arg8[%dma_start3A_59] : memref<10000xi32, #tpu.memory_space<vmem>> -> memref<96xi32, #tpu.memory_space<vmem>>
    %dma_start3A_61 = arith.constant 0 : i32
    %dma_start3A_62 = arith.constant 0 : i32
    %dma_start3A_63 = tpu.memref_slice %arg6[%dma_start3A_61, %dma_start3A_62] : memref<10000x64xi32, #tpu.memory_space<vmem_shared>> -> memref<10000x64xi32, #tpu.memory_space<vmem_shared>>
    tpu.enqueue_indirect_dma source(%dma_start3A_63 : memref<10000x64xi32, #tpu.memory_space<vmem_shared>>) target(%dma_start3A_58 : memref<96x64xi32, #tpu.memory_space<vmem>>) offsets(%dma_start3A_60 : memref<96xi32, #tpu.memory_space<vmem>>) semaphore(%arg15 : memref<!tpu.dma_semaphore, #tpu.memory_space<semaphore_mem>>)
    %dma_start3A_64 = arith.constant 0 : i32
    %dma_start3A_65 = arith.constant 0 : i32
    %dma_start3A_66 = tpu.memref_slice %arg11[%dma_start3A_64, %dma_start3A_65] : memref<200x64xi32, #tpu.memory_space<vmem>> -> memref<104x64xi32, #tpu.memory_space<vmem>>
    %dma_start3A_67 = arith.constant 200 : i32
    %dma_start3A_68 = tpu.memref_slice %arg7[%dma_start3A_67] : memref<10000xi32, #tpu.memory_space<vmem>> -> memref<104xi32, #tpu.memory_space<vmem>>
    %dma_start3A_69 = arith.constant 0 : i32
    %dma_start3A_70 = arith.constant 0 : i32
    %dma_start3A_71 = tpu.memref_slice %arg6[%dma_start3A_69, %dma_start3A_70] : memref<10000x64xi32, #tpu.memory_space<vmem_shared>> -> memref<10000x64xi32, #tpu.memory_space<vmem_shared>>
    tpu.enqueue_indirect_dma source(%dma_start3A_71 : memref<10000x64xi32, #tpu.memory_space<vmem_shared>>) target(%dma_start3A_66 : memref<104x64xi32, #tpu.memory_space<vmem>>) offsets(%dma_start3A_68 : memref<104xi32, #tpu.memory_space<vmem>>) semaphore(%arg16 : memref<!tpu.dma_semaphore, #tpu.memory_space<semaphore_mem>>)
    %dma_start3A_72 = arith.constant 0 : i32
    %dma_start3A_73 = arith.constant 0 : i32
    %dma_start3A_74 = tpu.memref_slice %arg12[%dma_start3A_72, %dma_start3A_73] : memref<200x64xi32, #tpu.memory_space<vmem>> -> memref<104x64xi32, #tpu.memory_space<vmem>>
    %dma_start3A_75 = arith.constant 200 : i32
    %dma_start3A_76 = tpu.memref_slice %arg8[%dma_start3A_75] : memref<10000xi32, #tpu.memory_space<vmem>> -> memref<104xi32, #tpu.memory_space<vmem>>
    %dma_start3A_77 = arith.constant 0 : i32
    %dma_start3A_78 = arith.constant 0 : i32
    %dma_start3A_79 = tpu.memref_slice %arg6[%dma_start3A_77, %dma_start3A_78] : memref<10000x64xi32, #tpu.memory_space<vmem_shared>> -> memref<10000x64xi32, #tpu.memory_space<vmem_shared>>
    tpu.enqueue_indirect_dma source(%dma_start3A_79 : memref<10000x64xi32, #tpu.memory_space<vmem_shared>>) target(%dma_start3A_74 : memref<104x64xi32, #tpu.memory_space<vmem>>) offsets(%dma_start3A_76 : memref<104xi32, #tpu.memory_space<vmem>>) semaphore(%arg16 : memref<!tpu.dma_semaphore, #tpu.memory_space<semaphore_mem>>)
    %dma_start3A_80 = arith.constant 104 : i32
    %dma_start3A_81 = arith.constant 0 : i32
    %dma_start3A_82 = tpu.memref_slice %arg11[%dma_start3A_80, %dma_start3A_81] : memref<200x64xi32, #tpu.memory_space<vmem>> -> memref<96x64xi32, #tpu.memory_space<vmem>>
    %dma_start3A_83 = arith.constant 304 : i32
    %dma_start3A_84 = tpu.memref_slice %arg7[%dma_start3A_83] : memref<10000xi32, #tpu.memory_space<vmem>> -> memref<96xi32, #tpu.memory_space<vmem>>
    %dma_start3A_85 = arith.constant 0 : i32
    %dma_start3A_86 = arith.constant 0 : i32
    %dma_start3A_87 = tpu.memref_slice %arg6[%dma_start3A_85, %dma_start3A_86] : memref<10000x64xi32, #tpu.memory_space<vmem_shared>> -> memref<10000x64xi32, #tpu.memory_space<vmem_shared>>
    tpu.enqueue_indirect_dma source(%dma_start3A_87 : memref<10000x64xi32, #tpu.memory_space<vmem_shared>>) target(%dma_start3A_82 : memref<96x64xi32, #tpu.memory_space<vmem>>) offsets(%dma_start3A_84 : memref<96xi32, #tpu.memory_space<vmem>>) semaphore(%arg16 : memref<!tpu.dma_semaphore, #tpu.memory_space<semaphore_mem>>)
    %dma_start3A_88 = arith.constant 104 : i32
    %dma_start3A_89 = arith.constant 0 : i32
    %dma_start3A_90 = tpu.memref_slice %arg12[%dma_start3A_88, %dma_start3A_89] : memref<200x64xi32, #tpu.memory_space<vmem>> -> memref<96x64xi32, #tpu.memory_space<vmem>>
    %dma_start3A_91 = arith.constant 304 : i32
    %dma_start3A_92 = tpu.memref_slice %arg8[%dma_start3A_91] : memref<10000xi32, #tpu.memory_space<vmem>> -> memref<96xi32, #tpu.memory_space<vmem>>
    %dma_start3A_93 = arith.constant 0 : i32
    %dma_start3A_94 = arith.constant 0 : i32
    %dma_start3A_95 = tpu.memref_slice %arg6[%dma_start3A_93, %dma_start3A_94] : memref<10000x64xi32, #tpu.memory_space<vmem_shared>> -> memref<10000x64xi32, #tpu.memory_space<vmem_shared>>
    tpu.enqueue_indirect_dma source(%dma_start3A_95 : memref<10000x64xi32, #tpu.memory_space<vmem_shared>>) target(%dma_start3A_90 : memref<96x64xi32, #tpu.memory_space<vmem>>) offsets(%dma_start3A_92 : memref<96xi32, #tpu.memory_space<vmem>>) semaphore(%arg16 : memref<!tpu.dma_semaphore, #tpu.memory_space<semaphore_mem>>)
    %scan3A = arith.constant 0 : i32
    %scan3A_96 = arith.constant 0 : i32
    %scan3A_97 = arith.constant 25 : i32
    %scan3A_98 = arith.addi %scan3A_96, %scan3A_97 : i32
    %scan3A_99 = arith.constant 1 : i32
    %scan3A_100 = scf.for %scan3A_102 = %scan3A_96 to %scan3A_98 step %scan3A_99 iter_args(%scan3A_103 = %scan3A) -> (i32)  : i32 {
      %mul3A_104 = arith.constant 2 : i32
      %mul3A_105 = arith.muli %mul3A_104, %scan3A_102 : i32
      %dma_wait3A_106 = arith.constant 0 : i32
      %dma_wait3A_107 = arith.constant 0 : i32
      %dma_wait3A_108 = tpu.memref_slice %arg9[%dma_wait3A_106, %dma_wait3A_107] : memref<200x64xi32, #tpu.memory_space<vmem>> -> memref<104x64xi32, #tpu.memory_space<vmem>>
      %dma_wait3A_109 = arith.constant 0 : i32
      %dma_wait3A_110 = arith.constant 0 : i32
      %dma_wait3A_111 = tpu.memref_slice %arg6[%dma_wait3A_109, %dma_wait3A_110] : memref<10000x64xi32, #tpu.memory_space<vmem_shared>> -> memref<104x64xi32, #tpu.memory_space<vmem_shared>>
      %dma_wait3A_112 = arith.constant 0 : i32
      %dma_wait3A_113 = arith.constant 0 : i32
      %dma_wait3A_114 = tpu.memref_slice %arg9[%dma_wait3A_112, %dma_wait3A_113] : memref<200x64xi32, #tpu.memory_space<vmem>> -> memref<104x64xi32, #tpu.memory_space<vmem>>
      %dma_wait3A_115 = arith.constant 0 : i32
      %dma_wait3A_116 = arith.constant 0 : i32
      %dma_wait3A_117 = tpu.memref_slice %arg6[%dma_wait3A_115, %dma_wait3A_116] : memref<10000x64xi32, #tpu.memory_space<vmem_shared>> -> memref<104x64xi32, #tpu.memory_space<vmem_shared>>
      tpu.wait_dma2 semaphore(%arg15 : memref<!tpu.dma_semaphore, #tpu.memory_space<semaphore_mem>>) src(%dma_wait3A_117 : memref<104x64xi32, #tpu.memory_space<vmem_shared>>) dst(%dma_wait3A_114 : memref<104x64xi32, #tpu.memory_space<vmem>>)
      %dma_wait3A_118 = arith.constant 0 : i32
      %dma_wait3A_119 = arith.constant 0 : i32
      %dma_wait3A_120 = tpu.memref_slice %arg10[%dma_wait3A_118, %dma_wait3A_119] : memref<200x64xi32, #tpu.memory_space<vmem>> -> memref<104x64xi32, #tpu.memory_space<vmem>>
      %dma_wait3A_121 = arith.constant 0 : i32
      %dma_wait3A_122 = arith.constant 0 : i32
      %dma_wait3A_123 = tpu.memref_slice %arg6[%dma_wait3A_121, %dma_wait3A_122] : memref<10000x64xi32, #tpu.memory_space<vmem_shared>> -> memref<104x64xi32, #tpu.memory_space<vmem_shared>>
      %dma_wait3A_124 = arith.constant 0 : i32
      %dma_wait3A_125 = arith.constant 0 : i32
      %dma_wait3A_126 = tpu.memref_slice %arg10[%dma_wait3A_124, %dma_wait3A_125] : memref<200x64xi32, #tpu.memory_space<vmem>> -> memref<104x64xi32, #tpu.memory_space<vmem>>
      %dma_wait3A_127 = arith.constant 0 : i32
      %dma_wait3A_128 = arith.constant 0 : i32
      %dma_wait3A_129 = tpu.memref_slice %arg6[%dma_wait3A_127, %dma_wait3A_128] : memref<10000x64xi32, #tpu.memory_space<vmem_shared>> -> memref<104x64xi32, #tpu.memory_space<vmem_shared>>
      tpu.wait_dma2 semaphore(%arg15 : memref<!tpu.dma_semaphore, #tpu.memory_space<semaphore_mem>>) src(%dma_wait3A_129 : memref<104x64xi32, #tpu.memory_space<vmem_shared>>) dst(%dma_wait3A_126 : memref<104x64xi32, #tpu.memory_space<vmem>>)
      %dma_wait3A_130 = arith.constant 104 : i32
      %dma_wait3A_131 = arith.constant 0 : i32
      %dma_wait3A_132 = tpu.memref_slice %arg9[%dma_wait3A_130, %dma_wait3A_131] : memref<200x64xi32, #tpu.memory_space<vmem>> -> memref<96x64xi32, #tpu.memory_space<vmem>>
      %dma_wait3A_133 = arith.constant 0 : i32
      %dma_wait3A_134 = arith.constant 0 : i32
      %dma_wait3A_135 = tpu.memref_slice %arg6[%dma_wait3A_133, %dma_wait3A_134] : memref<10000x64xi32, #tpu.memory_space<vmem_shared>> -> memref<96x64xi32, #tpu.memory_space<vmem_shared>>
      %dma_wait3A_136 = arith.constant 104 : i32
      %dma_wait3A_137 = arith.constant 0 : i32
      %dma_wait3A_138 = tpu.memref_slice %arg9[%dma_wait3A_136, %dma_wait3A_137] : memref<200x64xi32, #tpu.memory_space<vmem>> -> memref<96x64xi32, #tpu.memory_space<vmem>>
      %dma_wait3A_139 = arith.constant 0 : i32
      %dma_wait3A_140 = arith.constant 0 : i32
      %dma_wait3A_141 = tpu.memref_slice %arg6[%dma_wait3A_139, %dma_wait3A_140] : memref<10000x64xi32, #tpu.memory_space<vmem_shared>> -> memref<96x64xi32, #tpu.memory_space<vmem_shared>>
      tpu.wait_dma2 semaphore(%arg15 : memref<!tpu.dma_semaphore, #tpu.memory_space<semaphore_mem>>) src(%dma_wait3A_141 : memref<96x64xi32, #tpu.memory_space<vmem_shared>>) dst(%dma_wait3A_138 : memref<96x64xi32, #tpu.memory_space<vmem>>)
      %dma_wait3A_142 = arith.constant 104 : i32
      %dma_wait3A_143 = arith.constant 0 : i32
      %dma_wait3A_144 = tpu.memref_slice %arg10[%dma_wait3A_142, %dma_wait3A_143] : memref<200x64xi32, #tpu.memory_space<vmem>> -> memref<96x64xi32, #tpu.memory_space<vmem>>
      %dma_wait3A_145 = arith.constant 0 : i32
      %dma_wait3A_146 = arith.constant 0 : i32
      %dma_wait3A_147 = tpu.memref_slice %arg6[%dma_wait3A_145, %dma_wait3A_146] : memref<10000x64xi32, #tpu.memory_space<vmem_shared>> -> memref<96x64xi32, #tpu.memory_space<vmem_shared>>
      %dma_wait3A_148 = arith.constant 104 : i32
      %dma_wait3A_149 = arith.constant 0 : i32
      %dma_wait3A_150 = tpu.memref_slice %arg10[%dma_wait3A_148, %dma_wait3A_149] : memref<200x64xi32, #tpu.memory_space<vmem>> -> memref<96x64xi32, #tpu.memory_space<vmem>>
      %dma_wait3A_151 = arith.constant 0 : i32
      %dma_wait3A_152 = arith.constant 0 : i32
      %dma_wait3A_153 = tpu.memref_slice %arg6[%dma_wait3A_151, %dma_wait3A_152] : memref<10000x64xi32, #tpu.memory_space<vmem_shared>> -> memref<96x64xi32, #tpu.memory_space<vmem_shared>>
      tpu.wait_dma2 semaphore(%arg15 : memref<!tpu.dma_semaphore, #tpu.memory_space<semaphore_mem>>) src(%dma_wait3A_153 : memref<96x64xi32, #tpu.memory_space<vmem_shared>>) dst(%dma_wait3A_150 : memref<96x64xi32, #tpu.memory_space<vmem>>)
      %parallel_loop3A = arith.constant 0 : i32
      %parallel_loop3A_154 = arith.constant 200 : i32
      %parallel_loop3A_155 = arith.constant 1 : i32
      scf.for %parallel_loop3A_217 = %parallel_loop3A to %parallel_loop3A_154 step %parallel_loop3A_155  : i32 {
        %parallel_loop3A_218 = arith.constant 64 : i32
        %parallel_loop3A_219 = arith.muli %parallel_loop3A_217, %parallel_loop3A_218 : i32
        %parallel_loop3A_220 = vector.broadcast %parallel_loop3A_219 : i32 to vector<16xi32>
        %parallel_loop3A_221 = arith.addi %parallel_loop3A_220, %add3A_21 : vector<16xi32>
        %parallel_loop3A_222 = tpu.vector_load_idx %arg9[%broadcast_in_dim3A_31, %parallel_loop3A_221] : memref<200x64xi32, #tpu.memory_space<vmem>>[vector<16xi32>, vector<16xi32>], vector<16xi32>,
        %parallel_loop3A_223 = vector.bitcast %parallel_loop3A_222 : vector<16xi32> to vector<32xbf16>
        %parallel_loop3A_224 = tpu.vector_load_idx %arg10[%broadcast_in_dim3A_31, %parallel_loop3A_221] : memref<200x64xi32, #tpu.memory_space<vmem>>[vector<16xi32>, vector<16xi32>], vector<16xi32>,
        %parallel_loop3A_225 = vector.bitcast %parallel_loop3A_224 : vector<16xi32> to vector<32xbf16>
        %parallel_loop3A_226 = arith.mulf %parallel_loop3A_223, %parallel_loop3A_225 : vector<32xbf16>
        %parallel_loop3A_227 = arith.addi %parallel_loop3A_220, %add3A_24 : vector<16xi32>
        %parallel_loop3A_228 = tpu.vector_load_idx %arg9[%broadcast_in_dim3A_31, %parallel_loop3A_227] : memref<200x64xi32, #tpu.memory_space<vmem>>[vector<16xi32>, vector<16xi32>], vector<16xi32>,
        %parallel_loop3A_229 = vector.bitcast %parallel_loop3A_228 : vector<16xi32> to vector<32xbf16>
        %parallel_loop3A_230 = tpu.vector_load_idx %arg10[%broadcast_in_dim3A_31, %parallel_loop3A_227] : memref<200x64xi32, #tpu.memory_space<vmem>>[vector<16xi32>, vector<16xi32>], vector<16xi32>,
        %parallel_loop3A_231 = vector.bitcast %parallel_loop3A_230 : vector<16xi32> to vector<32xbf16>
        %parallel_loop3A_232 = arith.mulf %parallel_loop3A_229, %parallel_loop3A_231 : vector<32xbf16>
        %parallel_loop3A_233 = arith.addf %parallel_loop3A_226, %parallel_loop3A_232 : vector<32xbf16>
        %parallel_loop3A_234 = arith.addi %parallel_loop3A_220, %add3A_27 : vector<16xi32>
        %parallel_loop3A_235 = tpu.vector_load_idx %arg9[%broadcast_in_dim3A_31, %parallel_loop3A_234] : memref<200x64xi32, #tpu.memory_space<vmem>>[vector<16xi32>, vector<16xi32>], vector<16xi32>,
        %parallel_loop3A_236 = vector.bitcast %parallel_loop3A_235 : vector<16xi32> to vector<32xbf16>
        %parallel_loop3A_237 = tpu.vector_load_idx %arg10[%broadcast_in_dim3A_31, %parallel_loop3A_234] : memref<200x64xi32, #tpu.memory_space<vmem>>[vector<16xi32>, vector<16xi32>], vector<16xi32>,
        %parallel_loop3A_238 = vector.bitcast %parallel_loop3A_237 : vector<16xi32> to vector<32xbf16>
        %parallel_loop3A_239 = arith.mulf %parallel_loop3A_236, %parallel_loop3A_238 : vector<32xbf16>
        %parallel_loop3A_240 = arith.addf %parallel_loop3A_233, %parallel_loop3A_239 : vector<32xbf16>
        %parallel_loop3A_241 = arith.addi %parallel_loop3A_220, %add3A_30 : vector<16xi32>
        %parallel_loop3A_242 = tpu.vector_load_idx %arg9[%broadcast_in_dim3A_31, %parallel_loop3A_241] : memref<200x64xi32, #tpu.memory_space<vmem>>[vector<16xi32>, vector<16xi32>], vector<16xi32>,
        %parallel_loop3A_243 = vector.bitcast %parallel_loop3A_242 : vector<16xi32> to vector<32xbf16>
        %parallel_loop3A_244 = tpu.vector_load_idx %arg10[%broadcast_in_dim3A_31, %parallel_loop3A_241] : memref<200x64xi32, #tpu.memory_space<vmem>>[vector<16xi32>, vector<16xi32>], vector<16xi32>,
        %parallel_loop3A_245 = vector.bitcast %parallel_loop3A_244 : vector<16xi32> to vector<32xbf16>
        %parallel_loop3A_246 = arith.mulf %parallel_loop3A_243, %parallel_loop3A_245 : vector<32xbf16>
        %parallel_loop3A_247 = arith.addf %parallel_loop3A_240, %parallel_loop3A_246 : vector<32xbf16>
        %parallel_loop3A_248 = tpu.unpack_subelements %parallel_loop3A_247, 0 {pack_format = #tpu.pack_format<interleaved>} : vector<32xbf16> -> vector<16xf32>
        %parallel_loop3A_249 = tpu.unpack_subelements %parallel_loop3A_247, 1 {pack_format = #tpu.pack_format<interleaved>} : vector<32xbf16> -> vector<16xf32>
        %parallel_loop3A_250 = arith.addf %parallel_loop3A_248, %parallel_loop3A_249 : vector<16xf32>
        %parallel_loop3A_251 = arith.constant true
        %parallel_loop3A_252 = vector.broadcast %parallel_loop3A_251 : i1 to vector<16xi1>
        %parallel_loop3A_253 = tpu.scan <sum>, %parallel_loop3A_250 masked %parallel_loop3A_252 : vector<16xf32>, vector<16xi1> -> vector<16xf32>
        %parallel_loop3A_254 = arith.constant 200 : i32
        %parallel_loop3A_255 = arith.muli %mul3A_105, %parallel_loop3A_254 : i32
        %parallel_loop3A_256 = vector.broadcast %parallel_loop3A_255 : i32 to vector<16xi32>
        %parallel_loop3A_257 = vector.broadcast %parallel_loop3A_217 : i32 to vector<16xi32>
        %parallel_loop3A_258 = arith.addi %parallel_loop3A_256, %parallel_loop3A_257 : vector<16xi32>
        tpu.vector_store_idx %arg13[%parallel_loop3A_258], %parallel_loop3A_253 masked %eq3A_4 : memref<10000xf32, #tpu.memory_space<vmem>>[vector<16xi32>], vector<16xf32>, vector<16xi1>
      } {sc.loop_unroll_factor = 2 : i64, sc.parallel_access}
      %lt3A = arith.constant 24 : i32
      %lt3A_156 = arith.cmpi slt, %scan3A_102, %lt3A : i32
      %convert_element_type3A = arith.extui %lt3A_156 : i1 to i32
      %cond3A = arith.constant 0 : i32
      %cond3A_157 = arith.cmpi ne, %convert_element_type3A, %cond3A : i32
      scf.if %cond3A_157 {
        %add3A_217 = arith.constant 2 : i32
        %add3A_218 = arith.addi %mul3A_105, %add3A_217 : i32
        %mul3A_219 = arith.constant 200 : i32
        %mul3A_220 = arith.muli %add3A_218, %mul3A_219 : i32
        %dma_start3A_221 = arith.constant 0 : i32
        %dma_start3A_222 = arith.constant 0 : i32
        %dma_start3A_223 = tpu.memref_slice %arg9[%dma_start3A_221, %dma_start3A_222] : memref<200x64xi32, #tpu.memory_space<vmem>> -> memref<104x64xi32, #tpu.memory_space<vmem>>
        %dma_start3A_224 = tpu.memref_slice %arg7[%mul3A_220] : memref<10000xi32, #tpu.memory_space<vmem>> -> memref<104xi32, #tpu.memory_space<vmem>>
        %dma_start3A_225 = arith.constant 0 : i32
        %dma_start3A_226 = arith.constant 0 : i32
        %dma_start3A_227 = tpu.memref_slice %arg6[%dma_start3A_225, %dma_start3A_226] : memref<10000x64xi32, #tpu.memory_space<vmem_shared>> -> memref<10000x64xi32, #tpu.memory_space<vmem_shared>>
        tpu.enqueue_indirect_dma source(%dma_start3A_227 : memref<10000x64xi32, #tpu.memory_space<vmem_shared>>) target(%dma_start3A_223 : memref<104x64xi32, #tpu.memory_space<vmem>>) offsets(%dma_start3A_224 : memref<104xi32, #tpu.memory_space<vmem>>) semaphore(%arg15 : memref<!tpu.dma_semaphore, #tpu.memory_space<semaphore_mem>>)
        %mul3A_228 = arith.constant 200 : i32
        %mul3A_229 = arith.muli %add3A_218, %mul3A_228 : i32
        %dma_start3A_230 = arith.constant 0 : i32
        %dma_start3A_231 = arith.constant 0 : i32
        %dma_start3A_232 = tpu.memref_slice %arg10[%dma_start3A_230, %dma_start3A_231] : memref<200x64xi32, #tpu.memory_space<vmem>> -> memref<104x64xi32, #tpu.memory_space<vmem>>
        %dma_start3A_233 = tpu.memref_slice %arg8[%mul3A_229] : memref<10000xi32, #tpu.memory_space<vmem>> -> memref<104xi32, #tpu.memory_space<vmem>>
        %dma_start3A_234 = arith.constant 0 : i32
        %dma_start3A_235 = arith.constant 0 : i32
        %dma_start3A_236 = tpu.memref_slice %arg6[%dma_start3A_234, %dma_start3A_235] : memref<10000x64xi32, #tpu.memory_space<vmem_shared>> -> memref<10000x64xi32, #tpu.memory_space<vmem_shared>>
        tpu.enqueue_indirect_dma source(%dma_start3A_236 : memref<10000x64xi32, #tpu.memory_space<vmem_shared>>) target(%dma_start3A_232 : memref<104x64xi32, #tpu.memory_space<vmem>>) offsets(%dma_start3A_233 : memref<104xi32, #tpu.memory_space<vmem>>) semaphore(%arg15 : memref<!tpu.dma_semaphore, #tpu.memory_space<semaphore_mem>>)
        %mul3A_237 = arith.constant 200 : i32
        %mul3A_238 = arith.muli %add3A_218, %mul3A_237 : i32
        %add3A_239 = arith.constant 104 : i32
        %add3A_240 = arith.addi %mul3A_238, %add3A_239 : i32
        %dma_start3A_241 = arith.constant 104 : i32
        %dma_start3A_242 = arith.constant 0 : i32
        %dma_start3A_243 = tpu.memref_slice %arg9[%dma_start3A_241, %dma_start3A_242] : memref<200x64xi32, #tpu.memory_space<vmem>> -> memref<96x64xi32, #tpu.memory_space<vmem>>
        %dma_start3A_244 = tpu.memref_slice %arg7[%add3A_240] : memref<10000xi32, #tpu.memory_space<vmem>> -> memref<96xi32, #tpu.memory_space<vmem>>
        %dma_start3A_245 = arith.constant 0 : i32
        %dma_start3A_246 = arith.constant 0 : i32
        %dma_start3A_247 = tpu.memref_slice %arg6[%dma_start3A_245, %dma_start3A_246] : memref<10000x64xi32, #tpu.memory_space<vmem_shared>> -> memref<10000x64xi32, #tpu.memory_space<vmem_shared>>
        tpu.enqueue_indirect_dma source(%dma_start3A_247 : memref<10000x64xi32, #tpu.memory_space<vmem_shared>>) target(%dma_start3A_243 : memref<96x64xi32, #tpu.memory_space<vmem>>) offsets(%dma_start3A_244 : memref<96xi32, #tpu.memory_space<vmem>>) semaphore(%arg15 : memref<!tpu.dma_semaphore, #tpu.memory_space<semaphore_mem>>)
        %mul3A_248 = arith.constant 200 : i32
        %mul3A_249 = arith.muli %add3A_218, %mul3A_248 : i32
        %add3A_250 = arith.constant 104 : i32
        %add3A_251 = arith.addi %mul3A_249, %add3A_250 : i32
        %dma_start3A_252 = arith.constant 104 : i32
        %dma_start3A_253 = arith.constant 0 : i32
        %dma_start3A_254 = tpu.memref_slice %arg10[%dma_start3A_252, %dma_start3A_253] : memref<200x64xi32, #tpu.memory_space<vmem>> -> memref<96x64xi32, #tpu.memory_space<vmem>>
        %dma_start3A_255 = tpu.memref_slice %arg8[%add3A_251] : memref<10000xi32, #tpu.memory_space<vmem>> -> memref<96xi32, #tpu.memory_space<vmem>>
        %dma_start3A_256 = arith.constant 0 : i32
        %dma_start3A_257 = arith.constant 0 : i32
        %dma_start3A_258 = tpu.memref_slice %arg6[%dma_start3A_256, %dma_start3A_257] : memref<10000x64xi32, #tpu.memory_space<vmem_shared>> -> memref<10000x64xi32, #tpu.memory_space<vmem_shared>>
        tpu.enqueue_indirect_dma source(%dma_start3A_258 : memref<10000x64xi32, #tpu.memory_space<vmem_shared>>) target(%dma_start3A_254 : memref<96x64xi32, #tpu.memory_space<vmem>>) offsets(%dma_start3A_255 : memref<96xi32, #tpu.memory_space<vmem>>) semaphore(%arg15 : memref<!tpu.dma_semaphore, #tpu.memory_space<semaphore_mem>>)
      } else {
      }
      %dma_wait3A_158 = arith.constant 0 : i32
      %dma_wait3A_159 = arith.constant 0 : i32
      %dma_wait3A_160 = tpu.memref_slice %arg11[%dma_wait3A_158, %dma_wait3A_159] : memref<200x64xi32, #tpu.memory_space<vmem>> -> memref<104x64xi32, #tpu.memory_space<vmem>>
      %dma_wait3A_161 = arith.constant 0 : i32
      %dma_wait3A_162 = arith.constant 0 : i32
      %dma_wait3A_163 = tpu.memref_slice %arg6[%dma_wait3A_161, %dma_wait3A_162] : memref<10000x64xi32, #tpu.memory_space<vmem_shared>> -> memref<104x64xi32, #tpu.memory_space<vmem_shared>>
      %dma_wait3A_164 = arith.constant 0 : i32
      %dma_wait3A_165 = arith.constant 0 : i32
      %dma_wait3A_166 = tpu.memref_slice %arg11[%dma_wait3A_164, %dma_wait3A_165] : memref<200x64xi32, #tpu.memory_space<vmem>> -> memref<104x64xi32, #tpu.memory_space<vmem>>
      %dma_wait3A_167 = arith.constant 0 : i32
      %dma_wait3A_168 = arith.constant 0 : i32
      %dma_wait3A_169 = tpu.memref_slice %arg6[%dma_wait3A_167, %dma_wait3A_168] : memref<10000x64xi32, #tpu.memory_space<vmem_shared>> -> memref<104x64xi32, #tpu.memory_space<vmem_shared>>
      tpu.wait_dma2 semaphore(%arg16 : memref<!tpu.dma_semaphore, #tpu.memory_space<semaphore_mem>>) src(%dma_wait3A_169 : memref<104x64xi32, #tpu.memory_space<vmem_shared>>) dst(%dma_wait3A_166 : memref<104x64xi32, #tpu.memory_space<vmem>>)
      %dma_wait3A_170 = arith.constant 0 : i32
      %dma_wait3A_171 = arith.constant 0 : i32
      %dma_wait3A_172 = tpu.memref_slice %arg12[%dma_wait3A_170, %dma_wait3A_171] : memref<200x64xi32, #tpu.memory_space<vmem>> -> memref<104x64xi32, #tpu.memory_space<vmem>>
      %dma_wait3A_173 = arith.constant 0 : i32
      %dma_wait3A_174 = arith.constant 0 : i32
      %dma_wait3A_175 = tpu.memref_slice %arg6[%dma_wait3A_173, %dma_wait3A_174] : memref<10000x64xi32, #tpu.memory_space<vmem_shared>> -> memref<104x64xi32, #tpu.memory_space<vmem_shared>>
      %dma_wait3A_176 = arith.constant 0 : i32
      %dma_wait3A_177 = arith.constant 0 : i32
      %dma_wait3A_178 = tpu.memref_slice %arg12[%dma_wait3A_176, %dma_wait3A_177] : memref<200x64xi32, #tpu.memory_space<vmem>> -> memref<104x64xi32, #tpu.memory_space<vmem>>
      %dma_wait3A_179 = arith.constant 0 : i32
      %dma_wait3A_180 = arith.constant 0 : i32
      %dma_wait3A_181 = tpu.memref_slice %arg6[%dma_wait3A_179, %dma_wait3A_180] : memref<10000x64xi32, #tpu.memory_space<vmem_shared>> -> memref<104x64xi32, #tpu.memory_space<vmem_shared>>
      tpu.wait_dma2 semaphore(%arg16 : memref<!tpu.dma_semaphore, #tpu.memory_space<semaphore_mem>>) src(%dma_wait3A_181 : memref<104x64xi32, #tpu.memory_space<vmem_shared>>) dst(%dma_wait3A_178 : memref<104x64xi32, #tpu.memory_space<vmem>>)
      %dma_wait3A_182 = arith.constant 104 : i32
      %dma_wait3A_183 = arith.constant 0 : i32
      %dma_wait3A_184 = tpu.memref_slice %arg11[%dma_wait3A_182, %dma_wait3A_183] : memref<200x64xi32, #tpu.memory_space<vmem>> -> memref<96x64xi32, #tpu.memory_space<vmem>>
      %dma_wait3A_185 = arith.constant 0 : i32
      %dma_wait3A_186 = arith.constant 0 : i32
      %dma_wait3A_187 = tpu.memref_slice %arg6[%dma_wait3A_185, %dma_wait3A_186] : memref<10000x64xi32, #tpu.memory_space<vmem_shared>> -> memref<96x64xi32, #tpu.memory_space<vmem_shared>>
      %dma_wait3A_188 = arith.constant 104 : i32
      %dma_wait3A_189 = arith.constant 0 : i32
      %dma_wait3A_190 = tpu.memref_slice %arg11[%dma_wait3A_188, %dma_wait3A_189] : memref<200x64xi32, #tpu.memory_space<vmem>> -> memref<96x64xi32, #tpu.memory_space<vmem>>
      %dma_wait3A_191 = arith.constant 0 : i32
      %dma_wait3A_192 = arith.constant 0 : i32
      %dma_wait3A_193 = tpu.memref_slice %arg6[%dma_wait3A_191, %dma_wait3A_192] : memref<10000x64xi32, #tpu.memory_space<vmem_shared>> -> memref<96x64xi32, #tpu.memory_space<vmem_shared>>
      tpu.wait_dma2 semaphore(%arg16 : memref<!tpu.dma_semaphore, #tpu.memory_space<semaphore_mem>>) src(%dma_wait3A_193 : memref<96x64xi32, #tpu.memory_space<vmem_shared>>) dst(%dma_wait3A_190 : memref<96x64xi32, #tpu.memory_space<vmem>>)
      %dma_wait3A_194 = arith.constant 104 : i32
      %dma_wait3A_195 = arith.constant 0 : i32
      %dma_wait3A_196 = tpu.memref_slice %arg12[%dma_wait3A_194, %dma_wait3A_195] : memref<200x64xi32, #tpu.memory_space<vmem>> -> memref<96x64xi32, #tpu.memory_space<vmem>>
      %dma_wait3A_197 = arith.constant 0 : i32
      %dma_wait3A_198 = arith.constant 0 : i32
      %dma_wait3A_199 = tpu.memref_slice %arg6[%dma_wait3A_197, %dma_wait3A_198] : memref<10000x64xi32, #tpu.memory_space<vmem_shared>> -> memref<96x64xi32, #tpu.memory_space<vmem_shared>>
      %dma_wait3A_200 = arith.constant 104 : i32
      %dma_wait3A_201 = arith.constant 0 : i32
      %dma_wait3A_202 = tpu.memref_slice %arg12[%dma_wait3A_200, %dma_wait3A_201] : memref<200x64xi32, #tpu.memory_space<vmem>> -> memref<96x64xi32, #tpu.memory_space<vmem>>
      %dma_wait3A_203 = arith.constant 0 : i32
      %dma_wait3A_204 = arith.constant 0 : i32
      %dma_wait3A_205 = tpu.memref_slice %arg6[%dma_wait3A_203, %dma_wait3A_204] : memref<10000x64xi32, #tpu.memory_space<vmem_shared>> -> memref<96x64xi32, #tpu.memory_space<vmem_shared>>
      tpu.wait_dma2 semaphore(%arg16 : memref<!tpu.dma_semaphore, #tpu.memory_space<semaphore_mem>>) src(%dma_wait3A_205 : memref<96x64xi32, #tpu.memory_space<vmem_shared>>) dst(%dma_wait3A_202 : memref<96x64xi32, #tpu.memory_space<vmem>>)
      %add3A_206 = arith.constant 1 : i32
      %add3A_207 = arith.addi %mul3A_105, %add3A_206 : i32
      %parallel_loop3A_208 = arith.constant 0 : i32
      %parallel_loop3A_209 = arith.constant 200 : i32
      %parallel_loop3A_210 = arith.constant 1 : i32
      scf.for %parallel_loop3A_217 = %parallel_loop3A_208 to %parallel_loop3A_209 step %parallel_loop3A_210  : i32 {
        %parallel_loop3A_218 = arith.constant 64 : i32
        %parallel_loop3A_219 = arith.muli %parallel_loop3A_217, %parallel_loop3A_218 : i32
        %parallel_loop3A_220 = vector.broadcast %parallel_loop3A_219 : i32 to vector<16xi32>
        %parallel_loop3A_221 = arith.addi %parallel_loop3A_220, %add3A_21 : vector<16xi32>
        %parallel_loop3A_222 = tpu.vector_load_idx %arg11[%broadcast_in_dim3A_31, %parallel_loop3A_221] : memref<200x64xi32, #tpu.memory_space<vmem>>[vector<16xi32>, vector<16xi32>], vector<16xi32>,
        %parallel_loop3A_223 = vector.bitcast %parallel_loop3A_222 : vector<16xi32> to vector<32xbf16>
        %parallel_loop3A_224 = tpu.vector_load_idx %arg12[%broadcast_in_dim3A_31, %parallel_loop3A_221] : memref<200x64xi32, #tpu.memory_space<vmem>>[vector<16xi32>, vector<16xi32>], vector<16xi32>,
        %parallel_loop3A_225 = vector.bitcast %parallel_loop3A_224 : vector<16xi32> to vector<32xbf16>
        %parallel_loop3A_226 = arith.mulf %parallel_loop3A_223, %parallel_loop3A_225 : vector<32xbf16>
        %parallel_loop3A_227 = arith.addi %parallel_loop3A_220, %add3A_24 : vector<16xi32>
        %parallel_loop3A_228 = tpu.vector_load_idx %arg11[%broadcast_in_dim3A_31, %parallel_loop3A_227] : memref<200x64xi32, #tpu.memory_space<vmem>>[vector<16xi32>, vector<16xi32>], vector<16xi32>,
        %parallel_loop3A_229 = vector.bitcast %parallel_loop3A_228 : vector<16xi32> to vector<32xbf16>
        %parallel_loop3A_230 = tpu.vector_load_idx %arg12[%broadcast_in_dim3A_31, %parallel_loop3A_227] : memref<200x64xi32, #tpu.memory_space<vmem>>[vector<16xi32>, vector<16xi32>], vector<16xi32>,
        %parallel_loop3A_231 = vector.bitcast %parallel_loop3A_230 : vector<16xi32> to vector<32xbf16>
        %parallel_loop3A_232 = arith.mulf %parallel_loop3A_229, %parallel_loop3A_231 : vector<32xbf16>
        %parallel_loop3A_233 = arith.addf %parallel_loop3A_226, %parallel_loop3A_232 : vector<32xbf16>
        %parallel_loop3A_234 = arith.addi %parallel_loop3A_220, %add3A_27 : vector<16xi32>
        %parallel_loop3A_235 = tpu.vector_load_idx %arg11[%broadcast_in_dim3A_31, %parallel_loop3A_234] : memref<200x64xi32, #tpu.memory_space<vmem>>[vector<16xi32>, vector<16xi32>], vector<16xi32>,
        %parallel_loop3A_236 = vector.bitcast %parallel_loop3A_235 : vector<16xi32> to vector<32xbf16>
        %parallel_loop3A_237 = tpu.vector_load_idx %arg12[%broadcast_in_dim3A_31, %parallel_loop3A_234] : memref<200x64xi32, #tpu.memory_space<vmem>>[vector<16xi32>, vector<16xi32>], vector<16xi32>,
        %parallel_loop3A_238 = vector.bitcast %parallel_loop3A_237 : vector<16xi32> to vector<32xbf16>
        %parallel_loop3A_239 = arith.mulf %parallel_loop3A_236, %parallel_loop3A_238 : vector<32xbf16>
        %parallel_loop3A_240 = arith.addf %parallel_loop3A_233, %parallel_loop3A_239 : vector<32xbf16>
        %parallel_loop3A_241 = arith.addi %parallel_loop3A_220, %add3A_30 : vector<16xi32>
        %parallel_loop3A_242 = tpu.vector_load_idx %arg11[%broadcast_in_dim3A_31, %parallel_loop3A_241] : memref<200x64xi32, #tpu.memory_space<vmem>>[vector<16xi32>, vector<16xi32>], vector<16xi32>,
        %parallel_loop3A_243 = vector.bitcast %parallel_loop3A_242 : vector<16xi32> to vector<32xbf16>
        %parallel_loop3A_244 = tpu.vector_load_idx %arg12[%broadcast_in_dim3A_31, %parallel_loop3A_241] : memref<200x64xi32, #tpu.memory_space<vmem>>[vector<16xi32>, vector<16xi32>], vector<16xi32>,
        %parallel_loop3A_245 = vector.bitcast %parallel_loop3A_244 : vector<16xi32> to vector<32xbf16>
        %parallel_loop3A_246 = arith.mulf %parallel_loop3A_243, %parallel_loop3A_245 : vector<32xbf16>
        %parallel_loop3A_247 = arith.addf %parallel_loop3A_240, %parallel_loop3A_246 : vector<32xbf16>
        %parallel_loop3A_248 = tpu.unpack_subelements %parallel_loop3A_247, 0 {pack_format = #tpu.pack_format<interleaved>} : vector<32xbf16> -> vector<16xf32>
        %parallel_loop3A_249 = tpu.unpack_subelements %parallel_loop3A_247, 1 {pack_format = #tpu.pack_format<interleaved>} : vector<32xbf16> -> vector<16xf32>
        %parallel_loop3A_250 = arith.addf %parallel_loop3A_248, %parallel_loop3A_249 : vector<16xf32>
        %parallel_loop3A_251 = arith.constant true
        %parallel_loop3A_252 = vector.broadcast %parallel_loop3A_251 : i1 to vector<16xi1>
        %parallel_loop3A_253 = tpu.scan <sum>, %parallel_loop3A_250 masked %parallel_loop3A_252 : vector<16xf32>, vector<16xi1> -> vector<16xf32>
        %parallel_loop3A_254 = arith.constant 200 : i32
        %parallel_loop3A_255 = arith.muli %add3A_207, %parallel_loop3A_254 : i32
        %parallel_loop3A_256 = vector.broadcast %parallel_loop3A_255 : i32 to vector<16xi32>
        %parallel_loop3A_257 = vector.broadcast %parallel_loop3A_217 : i32 to vector<16xi32>
        %parallel_loop3A_258 = arith.addi %parallel_loop3A_256, %parallel_loop3A_257 : vector<16xi32>
        tpu.vector_store_idx %arg13[%parallel_loop3A_258], %parallel_loop3A_253 masked %eq3A_4 : memref<10000xf32, #tpu.memory_space<vmem>>[vector<16xi32>], vector<16xf32>, vector<16xi1>
      } {sc.loop_unroll_factor = 2 : i64, sc.parallel_access}
      %lt3A_211 = arith.constant 24 : i32
      %lt3A_212 = arith.cmpi slt, %scan3A_102, %lt3A_211 : i32
      %convert_element_type3A_213 = arith.extui %lt3A_212 : i1 to i32
      %cond3A_214 = arith.constant 0 : i32
      %cond3A_215 = arith.cmpi ne, %convert_element_type3A_213, %cond3A_214 : i32
      scf.if %cond3A_215 {
        %add3A_217 = arith.constant 3 : i32
        %add3A_218 = arith.addi %mul3A_105, %add3A_217 : i32
        %mul3A_219 = arith.constant 200 : i32
        %mul3A_220 = arith.muli %add3A_218, %mul3A_219 : i32
        %dma_start3A_221 = arith.constant 0 : i32
        %dma_start3A_222 = arith.constant 0 : i32
        %dma_start3A_223 = tpu.memref_slice %arg11[%dma_start3A_221, %dma_start3A_222] : memref<200x64xi32, #tpu.memory_space<vmem>> -> memref<104x64xi32, #tpu.memory_space<vmem>>
        %dma_start3A_224 = tpu.memref_slice %arg7[%mul3A_220] : memref<10000xi32, #tpu.memory_space<vmem>> -> memref<104xi32, #tpu.memory_space<vmem>>
        %dma_start3A_225 = arith.constant 0 : i32
        %dma_start3A_226 = arith.constant 0 : i32
        %dma_start3A_227 = tpu.memref_slice %arg6[%dma_start3A_225, %dma_start3A_226] : memref<10000x64xi32, #tpu.memory_space<vmem_shared>> -> memref<10000x64xi32, #tpu.memory_space<vmem_shared>>
        tpu.enqueue_indirect_dma source(%dma_start3A_227 : memref<10000x64xi32, #tpu.memory_space<vmem_shared>>) target(%dma_start3A_223 : memref<104x64xi32, #tpu.memory_space<vmem>>) offsets(%dma_start3A_224 : memref<104xi32, #tpu.memory_space<vmem>>) semaphore(%arg16 : memref<!tpu.dma_semaphore, #tpu.memory_space<semaphore_mem>>)
        %mul3A_228 = arith.constant 200 : i32
        %mul3A_229 = arith.muli %add3A_218, %mul3A_228 : i32
        %dma_start3A_230 = arith.constant 0 : i32
        %dma_start3A_231 = arith.constant 0 : i32
        %dma_start3A_232 = tpu.memref_slice %arg12[%dma_start3A_230, %dma_start3A_231] : memref<200x64xi32, #tpu.memory_space<vmem>> -> memref<104x64xi32, #tpu.memory_space<vmem>>
        %dma_start3A_233 = tpu.memref_slice %arg8[%mul3A_229] : memref<10000xi32, #tpu.memory_space<vmem>> -> memref<104xi32, #tpu.memory_space<vmem>>
        %dma_start3A_234 = arith.constant 0 : i32
        %dma_start3A_235 = arith.constant 0 : i32
        %dma_start3A_236 = tpu.memref_slice %arg6[%dma_start3A_234, %dma_start3A_235] : memref<10000x64xi32, #tpu.memory_space<vmem_shared>> -> memref<10000x64xi32, #tpu.memory_space<vmem_shared>>
        tpu.enqueue_indirect_dma source(%dma_start3A_236 : memref<10000x64xi32, #tpu.memory_space<vmem_shared>>) target(%dma_start3A_232 : memref<104x64xi32, #tpu.memory_space<vmem>>) offsets(%dma_start3A_233 : memref<104xi32, #tpu.memory_space<vmem>>) semaphore(%arg16 : memref<!tpu.dma_semaphore, #tpu.memory_space<semaphore_mem>>)
        %mul3A_237 = arith.constant 200 : i32
        %mul3A_238 = arith.muli %add3A_218, %mul3A_237 : i32
        %add3A_239 = arith.constant 104 : i32
        %add3A_240 = arith.addi %mul3A_238, %add3A_239 : i32
        %dma_start3A_241 = arith.constant 104 : i32
        %dma_start3A_242 = arith.constant 0 : i32
        %dma_start3A_243 = tpu.memref_slice %arg11[%dma_start3A_241, %dma_start3A_242] : memref<200x64xi32, #tpu.memory_space<vmem>> -> memref<96x64xi32, #tpu.memory_space<vmem>>
        %dma_start3A_244 = tpu.memref_slice %arg7[%add3A_240] : memref<10000xi32, #tpu.memory_space<vmem>> -> memref<96xi32, #tpu.memory_space<vmem>>
        %dma_start3A_245 = arith.constant 0 : i32
        %dma_start3A_246 = arith.constant 0 : i32
        %dma_start3A_247 = tpu.memref_slice %arg6[%dma_start3A_245, %dma_start3A_246] : memref<10000x64xi32, #tpu.memory_space<vmem_shared>> -> memref<10000x64xi32, #tpu.memory_space<vmem_shared>>
        tpu.enqueue_indirect_dma source(%dma_start3A_247 : memref<10000x64xi32, #tpu.memory_space<vmem_shared>>) target(%dma_start3A_243 : memref<96x64xi32, #tpu.memory_space<vmem>>) offsets(%dma_start3A_244 : memref<96xi32, #tpu.memory_space<vmem>>) semaphore(%arg16 : memref<!tpu.dma_semaphore, #tpu.memory_space<semaphore_mem>>)
        %mul3A_248 = arith.constant 200 : i32
        %mul3A_249 = arith.muli %add3A_218, %mul3A_248 : i32
        %add3A_250 = arith.constant 104 : i32
        %add3A_251 = arith.addi %mul3A_249, %add3A_250 : i32
        %dma_start3A_252 = arith.constant 104 : i32
        %dma_start3A_253 = arith.constant 0 : i32
        %dma_start3A_254 = tpu.memref_slice %arg12[%dma_start3A_252, %dma_start3A_253] : memref<200x64xi32, #tpu.memory_space<vmem>> -> memref<96x64xi32, #tpu.memory_space<vmem>>
        %dma_start3A_255 = tpu.memref_slice %arg8[%add3A_251] : memref<10000xi32, #tpu.memory_space<vmem>> -> memref<96xi32, #tpu.memory_space<vmem>>
        %dma_start3A_256 = arith.constant 0 : i32
        %dma_start3A_257 = arith.constant 0 : i32
        %dma_start3A_258 = tpu.memref_slice %arg6[%dma_start3A_256, %dma_start3A_257] : memref<10000x64xi32, #tpu.memory_space<vmem_shared>> -> memref<10000x64xi32, #tpu.memory_space<vmem_shared>>
        tpu.enqueue_indirect_dma source(%dma_start3A_258 : memref<10000x64xi32, #tpu.memory_space<vmem_shared>>) target(%dma_start3A_254 : memref<96x64xi32, #tpu.memory_space<vmem>>) offsets(%dma_start3A_255 : memref<96xi32, #tpu.memory_space<vmem>>) semaphore(%arg16 : memref<!tpu.dma_semaphore, #tpu.memory_space<semaphore_mem>>)
      } else {
      }
      %scan3A_216 = arith.constant 0 : i32
      scf.yield %scan3A_216 : i32
    }
    %scan3A_101 = arith.constant 25 : i32
    "tpu.region"() ({
      %run_scoped3A = tpu.sem_alloc : memref<!tpu.dma_semaphore, #tpu.memory_space<semaphore_mem>>
      %dma_start3A_102 = tpu.memref_slice %arg5[%mul3A_2] : memref<320000xf32, #tpu.memory_space<hbm>> -> memref<10000xf32, #tpu.memory_space<hbm>>
      %dma_start3A_103 = tpu.memref_slice %arg5[%mul3A_2] : memref<320000xf32, #tpu.memory_space<hbm>> -> memref<10000xf32, #tpu.memory_space<hbm>>
      tpu.enqueue_dma source(%arg13 : memref<10000xf32, #tpu.memory_space<vmem>>) target(%dma_start3A_103 : memref<10000xf32, #tpu.memory_space<hbm>>) target_semaphore(%run_scoped3A : memref<!tpu.dma_semaphore, #tpu.memory_space<semaphore_mem>>)
      %dma_wait3A_104 = tpu.memref_slice %arg5[%mul3A_2] : memref<320000xf32, #tpu.memory_space<hbm>> -> memref<10000xf32, #tpu.memory_space<hbm>>
      %dma_wait3A_105 = tpu.memref_slice %arg5[%mul3A_2] : memref<320000xf32, #tpu.memory_space<hbm>> -> memref<10000xf32, #tpu.memory_space<hbm>>
      tpu.wait_dma2 semaphore(%run_scoped3A : memref<!tpu.dma_semaphore, #tpu.memory_space<semaphore_mem>>) src(%arg13 : memref<10000xf32, #tpu.memory_space<vmem>>) dst(%dma_wait3A_105 : memref<10000xf32, #tpu.memory_space<hbm>>)
      tpu.yield
    }) : () -> ()
    return
  }
}

</mosaic_0001>

<sc_bundles>
// kernel: kernel.3.cloned.1.call-start
scs
__scs_entry_jumppad:
0x0: {  	(pc) =	sbr.rel $0x88, $3  }
0x1: {  	(tag) =	ssettag $0x0;
	lr =	simm.s32 $0x1  }
0x2: {  	[smem:$0x3F9F] =	sst lr;
	_ =	strace $0xD0000000  }
0x3: {  	_ = 	snop  }
0x4: {  	_ = 	snop  }
0x5: {  	_ = 	snop  }
0x6: {  	_ = 	snop  }
0x7: {  	_ = 	snop  }
__scs_overlays_trampoline_lowered:
0x8: {  	[smem:$0x3FAE] =	sst s0  }
0x9: {  	[smem:$0x3FAF] =	sst s1  }
0xa: {  	[smem:$0x3FB0] =	sst s2  }
0xb: {  	[smem:$0x3FB1] =	sst s3  }
0xc: {  	[smem:$0x3FB2] =	sst s4  }
0xd: {  	[smem:$0x3FB3] =	sst s5  }
0xe: {  	[smem:$0x3FB4] =	sst s6  }
0xf: {  	[smem:$0x3FB5] =	sst s7  }
0x10: {  	[smem:$0x3FB6] =	sst s8  }
0x11: {  	[smem:$0x3FB7] =	sst s9;
	s0 =	simm.s32 @!p0 $0x0  }
0x12: {  	s1 =	sld [smem:$0x3F9D];
	s0 =	simm.s32 @p0 $0x1  }
0x13: {  	[smem:$0x3FB8] =	sst s0;
	s0 =	simm.s32 @!p1 $0x0  }
0x14: {  	s2 =	sld [smem:$0x3F9C];
	s0 =	simm.s32 @p1 $0x1  }
0x15: {  	[smem:$0x3FB9] =	sst s0;
	s0 =	simm.s32 @!p2 $0x0  }
0x16: {  	s3 =	sld [smem:$0x3FDB];
	s0 =	simm.s32 @p2 $0x1  }
0x17: {  	s4 =	simm.s32 $0x1BF5;
	[smem:$0x3FBB] =	sst s0  }
0x18: {  	s0 =	sld [smem:$0x3F9E];
	_ =	swait.ge [sflag:s4], $0x0  }
0x19: {  	s7 =	sld [smem:$0x3F9F]  }
0x1a: {  	s8 =	sadd.s32 $0xFFFFE003, lr  }
0x1b: {  	s9 =	sadd.s32 $0xFFFFFEF7, lr;
	s5 =	simm.s32 $0xFFFFFFFF;
	p2 =	slt.u32 s8, $0xFFFFF086  }
0x1c: {  	p1 =	slt.u32 s9, $0xF7A;
	s5 =	simm.s32 @!p2 $0x0  }
0x1d: {  	s5 =	simm.s32 @p1 $0x1;
	p0 =	seq.s32 s7, s2  }
0x1e: {  	s7 =	smul.u32 @!p0 $0xF7A, s2;
	p2 =	seq.s32 @!p0 s5, $0x0  }
0x1f: {  	s9 =	smul.u32 $0xF7A, s1;
	s8 =	simm.s32 @!p0 $0x1BF5;
	p2 =	por !p2, p0  }
0x20: {  	[sflag:s8] =	ssyncset.s32 @!p0 $0xFFFFF086;
	s6 =	sadd.s32 @!p0 s3, s7;
	s7 =	simm.s32 @!p0 $0x108  }
0x21: {  	s3 =	sadd.s32 s3, s9;
	s6 =	sadd.s32 @!p0 $0x88, s6;
	s7 =	simm.s32 @p2 $0x1082  }
0x22: {  	[simem:s7], [sflag:s8] =	dma.local @!p0 [hbm:s6], $0xF7A  }
0x23: {  	s9 =	sor.u32 $0xD0000000, s2;
	s6 =	simm.s32 $0x108;
	_ =	swait.ge @!p0 [sflag:s8], $0x0  }
0x24: {  	s3 =	sadd.s32 $0x88, s3;
	s6 =	simm.s32 @!p1 $0x1082;
	[sflag:s4] =	ssyncset.s32 $0xFFFFF086  }
0x25: {  	[simem:s6], [sflag:s4] =	dma.local [hbm:s3], $0xF7A  }
0x26: {  	[smem:$0x3F9F] =	sst s1;
	(tag) =	ssettag s2;
	_ =	strace s9  }
0x27: {  	s1 =	sld [smem:$0x3FAF]  }
0x28: {  	s2 =	sld [smem:$0x3FB0]  }
0x29: {  	s4 =	sld [smem:$0x3FB2]  }
0x2a: {  	p0 =	seq.s32 s5, $0x0;
	s5 =	sld [smem:$0x3FB3]  }
0x2b: {  	s6 =	sld [smem:$0x3FB4]  }
0x2c: {  	s7 =	sld [smem:$0x3FB5]  }
0x2d: {  	s3 =	simm.s32 $0x108;
	s8 =	sld [smem:$0x3FB6]  }
0x2e: {  	s3 =	simm.s32 @!p0 $0x1082;
	s9 =	sld [smem:$0x3FB7]  }
0x2f: {  	lr =	sadd.s32 s0, s3;
	s0 =	sld [smem:$0x3FAE]  }
0x30: {  	s3 =	sld [smem:$0x3FB1]  }
0x31: {  	[smem:$0x3FBA] =	sst s10  }
0x32: {  	s10 =	sld [smem:$0x3FB8];
	_ =	sdelay $0x3  }
0x33: {  	p0 =	seq.s32 s10, $0x1;
	s10 =	sld [smem:$0x3FBA];
	_ =	sdelay $0x3  }
0x34: {  	[smem:$0x3FBA] =	sst s10  }
0x35: {  	s10 =	sld [smem:$0x3FB9];
	_ =	sdelay $0x3  }
0x36: {  	p1 =	seq.s32 s10, $0x1;
	s10 =	sld [smem:$0x3FBA];
	_ =	sdelay $0x3  }
0x37: {  	[smem:$0x3FBA] =	sst s10  }
0x38: {  	s10 =	sld [smem:$0x3FBB]  }
0x39: {  	_ = 	snop;
	(pc) =	sbr.ind lr, $3  }
0x3a: {  	_ = 	snop  }
0x3b: {  	_ = 	snop  }
0x3c: {  	p2 =	seq.s32 s10, $0x1;
	s10 =	sld [smem:$0x3FBA]  }
0x3d: {  	_ =	shalt  }
0x3e: {  	_ =	shalt  }
0x3f: {  	_ =	shalt  }
0x40: {  	_ =	shalt  }
0x41: {  	_ =	shalt  }
0x42: {  	_ =	shalt  }
0x43: {  	_ =	shalt  }
0x44: {  	_ =	shalt  }
0x45: {  	_ =	shalt  }
0x46: {  	_ =	shalt  }
0x47: {  	_ =	shalt  }
0x48: {  	_ =	shalt  }
0x49: {  	_ =	shalt  }
0x4a: {  	_ =	shalt  }
0x4b: {  	_ =	shalt  }
0x4c: {  	_ =	shalt  }
0x4d: {  	_ =	shalt  }
0x4e: {  	_ =	shalt  }
0x4f: {  	_ =	shalt  }
0x50: {  	_ =	shalt  }
0x51: {  	_ =	shalt  }
0x52: {  	_ =	shalt  }
0x53: {  	_ =	shalt  }
0x54: {  	_ =	shalt  }
0x55: {  	_ =	shalt  }
0x56: {  	_ =	shalt  }
0x57: {  	_ =	shalt  }
0x58: {  	_ =	shalt  }
0x59: {  	_ =	shalt  }
0x5a: {  	_ =	shalt  }
0x5b: {  	_ =	shalt  }
0x5c: {  	_ =	shalt  }
0x5d: {  	_ =	shalt  }
0x5e: {  	_ =	shalt  }
0x5f: {  	_ =	shalt  }
0x60: {  	_ =	shalt  }
0x61: {  	_ =	shalt  }
0x62: {  	_ =	shalt  }
0x63: {  	_ =	shalt  }
0x64: {  	_ =	shalt  }
0x65: {  	_ =	shalt  }
0x66: {  	_ =	shalt  }
0x67: {  	_ =	shalt  }
0x68: {  	_ =	shalt  }
0x69: {  	_ =	shalt  }
0x6a: {  	_ =	shalt  }
0x6b: {  	_ =	shalt  }
0x6c: {  	_ =	shalt  }
0x6d: {  	_ =	shalt  }
0x6e: {  	_ =	shalt  }
0x6f: {  	_ =	shalt  }
0x70: {  	_ =	shalt  }
0x71: {  	_ =	shalt  }
0x72: {  	_ =	shalt  }
0x73: {  	_ =	shalt  }
0x74: {  	_ =	shalt  }
0x75: {  	_ =	shalt  }
0x76: {  	_ =	shalt  }
0x77: {  	_ =	shalt  }
0x78: {  	_ =	shalt  }
0x79: {  	_ =	shalt  }
0x7a: {  	_ =	shalt  }
0x7b: {  	_ =	shalt  }
0x7c: {  	_ =	shalt  }
0x7d: {  	_ =	shalt  }
0x7e: {  	_ =	shalt  }
0x7f: {  	_ =	shalt  }
0x80: {  	_ =	shalt  }
0x81: {  	_ =	shalt  }
0x82: {  	_ =	shalt  }
0x83: {  	_ =	shalt  }
0x84: {  	_ =	shalt  }
0x85: {  	_ =	shalt  }
0x86: {  	_ =	shalt  }
0x87: {  	_ =	shalt  }
.Lfunc_end0:
.L_simem_size_0:
called_computation_lowered:
.L_overlay_start_0:
0x88: {  	s2 =	sld [smem:$0x3FD9]  }
0x89: {  	s3 =	sld [smem:$0x3FFE];
	_ =	sdelay $0x1  }
0x8a: {  	s1 =	srdreg.scid  }
0x8b: {  	s0 =	sand.u32 $0x1, s1  }
0x8c: {  	s17 =	sshll.u32 s0, $0xA;
	s2 =	sadd.s32 s3, s2  }
0x8d: {  	s2 =	sadd.s32 s2, s17  }
0x8e: {  	[smem:$0x3FC6] =	sst s2  }
0x8f: {  	_ = 	snop  }
0x90: {  	s2 =	sld [smem:$0x3FD0];
	(tm) =	ssettm $0x1  }
0x91: {  	s18 =	sld [smem:$0x3FFB];
	_ =	sdelay $0x3  }
0x92: {  	_ =	strace s18  }
0x93: {  	s3 =	sld [smem:$0x3FFC];
	_ =	sdelay $0x3  }
0x94: {  	_ =	strace s3  }
0x95: {  	s3 =	sld [smem:$0x3FFD];
	_ =	sdelay $0x3  }
0x96: {  	_ =	strace s3  }
0x97: {  	_ =	strace $0x8FFFFFFF  }
0x98: {  	s19 =	sld [smem:$0x3FDB];
	_ =	sdelay $0x1  }
0x99: {  	s4 =	simm.s32 $_scs_section_size  }
0x9a: {  	s5 =	simm.s32 $_size__tile_overlayer_lowered;
	s6 =	simm.s32 $_tile_overlayer_lowered  }
0x9b: {  	s22 =	simm.s32 $0x1BFF;
	s21 =	sshll.u32 s6, $0x1;
	s3 =	sadd.s32 s4, s19  }
0x9c: {  	s7 =	simm.s32 $0x0;
	s20 =	sshll.u32 s5, $0x1;
	s5 =	sadd.s32 s21, s3  }
0x9d: {  	[timem:s7], [sflag:s22] =	dma.local [hbm:s5], s20  }
0x9e: {  	_ =	swait.ge [sflag:s22], s20  }
0x9f: {  	s4 =	ssub.s32 $0x0, s20;
	[sflag:s22] =	ssyncset.done $0x0  }
0xa0: {  	[sflag:s22] =	ssyncadd.s32 s4;
	_ =	sdelay $0x1  }
0xa1: {  	s23 =	simm.s32 $0x1B8B  }
0xa2: {  	_ =	swait.ge [sflag:s23], $0x1  }
0xa3: {  	[sflag:s23] =	ssyncset.done $0x0  }
0xa4: {  	s25 =	simm.s32 $0x1B8E;
	s24 =	sld [smem:$0x3FFE];
	[sflag:s23] =	ssyncadd.s32 $0xFFFFFFFF  }
0xa5: {  	s26 =	simm.s32 $execute0_lowered;
	[smem:$0x3FD2] =	sst s25  }
0xa6: {  	s5 =	sshll.u32 s26, $0x1;
	_ =	strace $0x80000046;
	[dreg:$0x1] =	wrdreg $0xFFFFFFFF  }
0xa7: {  	s28 =	simm.s32 $_size_execute0_lowered;
	s3 =	sadd.s32 s3, s5;
	[dreg:$0x0] =	wrdreg $0x0  }
0xa8: {  	s5 =	sshll.u32 s28, $0x1;
	[dreg:$0x2] =	wrdreg s3  }
0xa9: {  	[dreg:$0x3] =	wrdreg s5  }
0xaa: {  	[dreg:$0x4] =	wrdreg $0xC0  }
0xab: {  	_ =	task [dreg:s7], $0x5FFFF  }
0xac: {  	[dreg:$0x1] =	wrdreg $0xFFFFFFFF  }
0xad: {  	[dreg:$0x0] =	wrdreg $0x60  }
0xae: {  	[dreg:$0x2] =	wrdreg s24  }
0xaf: {  	[dreg:$0x3] =	wrdreg s2  }
0xb0: {  	[dreg:$0x4] =	wrdreg $0x0  }
0xb1: {  	[dreg:$0x5] =	wrdreg $0x9  }
0xb2: {  	_ =	task.clear_ibuf [dreg:s7], $0x6FFFF;
	_ =	strace $0x90000046  }
0xb3: {  	s29 =	simm.s32 $0x9;
	_ =	strace $0x80000048  }
0xb4: {  	_ =	swait.ge [sflag:s29], $0x1  }
0xb5: {  	[sflag:s29] =	ssyncadd.s32 $0xFFFFFFFF  }
0xb6: {  	_ =	strace $0x90000048  }
0xb7: {  	_ =	sfence  }
0xb8: {  	s30 =	sld [smem:$0x0];
	_ =	sdelay $0x2  }
0xb9: {  	s31 =	sshll.u32 s1, $0xD;
	s1 =	sshrl.u32 s1, $0x2  }
0xba: {  	s3 =	sand.u32 $0x4000, s31;
	s1 =	sadd.s32 s1, s30  }
0xbb: {  	s0 =	sor.u32 s3, s0;
	s1 =	sshll.u32 s1, $0x11  }
0xbc: {  	s0 =	sor.u32 s1, s0  }
0xbd: {  	s0 =	sadd.s32 $0x8F2B, s0  }
0xbe: {  	[sflag:s0] =	ssyncadd.remote.s32 $0x1  }
0xbf: {  	_ =	sfence.sel $0xFFFF  }
0xc0: {  	[dreg:$0x0] =	wrdreg $0xFFFFFFFF;
	(pc) =	sbr.abs _section_cstart, $3  }
0xc1: {  	[dreg:$0x1] =	wrdreg $0xFFFFFFFF  }
0xc2: {  	_ =	task.clear_ibuf [dreg:s7], $0x2FFFF;
	_ =	strace $0x9FFFFFFF  }
0xc3: {  	(tm) =	ssettm $0x7FFFFFFF  }
tec
execute0_lowered:
.L_overlay_start_1:
0x0: {  	(tag) =	ssettag $0x1  }
0x1: {  	s0 =	rddreg [dreg:$0x0]  }
0x2: {  	s1 =	srdreg.scid;
	s8 =	rddreg [dreg:$0x1]  }
0x3: {  	s10 =	stileid.u32;
	s2 =	rddreg [dreg:$0x2];
	s13 =	simm.s32 $0x4  }
0x4: {  	s14 =	simm.s32 $0x1;
	s15 =	simm.s32 $0x68;
	s16 =	simm.s32 $0xEA60  }
0x5: {  	s17 =	simm.s32 $0x11C60;
	s18 =	simm.s32 $0x60;
	s24 =	simm.s32 $0x14E60  }
0x6: {  	s26 =	simm.s32 $0x18060;
	s29 =	simm.s32 $0x16860;
	s31 =	simm.s32 $0x19A60  }
0x7: {  	s19 =	simm.s32 $0x3;
	s20 =	simm.s32 $0x0;
	s1 =	sand.u32 $0x1, s1  }
0x8: {  	s3 =	sshll.u32 s10, $0x1;
	s6 =	smul.u32 $0x9C40, s10;
	s10 =	sshll.u32 s10, $0x6  }
0x9: {  	s4 =	sor.u32 s1, s3;
	s3 =	simm.s32 $0x0;
	s1 =	ssub.s32 $0x2, s1  }
0xa: {  	s9 =	smul.u32 $0x4E2, s4;
	[smem:$0x7FF] =	sst s3;
	s30 =	sshrl.u32 s1, $0x1  }
.Ltmp0:
0xb: {  	vm0 =	vcmask $0x3F3C;
	s7 =	sshrl.u32 s6, $0x3;
	s11 =	sadd.s32 s6, s2;
	(pc) =	sbr.rel .LBB2_1-.Ltmp0, $4  }
0xc: {  	_ =	strace $0x80000047;
	s1 =	ssub.s32 s1, s30;
	s6 =	sadd.s32 s0, s7  }
0xd: {  	s7 =	sor.u32 $0x1C04, s10;
	s12 =	sshrl.u32 s11, $0x3;
	s5 =	sadd.s32 s9, s0  }
0xe: {  	v0 =	vlaneseq.u32;
	s8 =	sadd.s32 s8, s9;
	s9 =	smax.u32 s1, $0x1;
	s1 =	simm.s32 $0x2  }
0xf: {  	v1 =	vor.u32 $0x10, v0;
	v2 =	vor.u32 $0x20, v0;
	v3 =	vor.u32 $0x30, v0;
	s0 =	simm.s32 $0x1B260;
	s4 =	sadd.s32 $0x1D800, s5;
	s5 =	sadd.s32 $0x13A00, s5  }
.LBB2_8:
0x10: {  	s20 =	sadd.s32 $0x1, s20  }
0x11: {  	p0 =	sne.s32 s20, s9  }
.Ltmp1:
0x12: {  	_ = 	snop;
	(pc) =	sbr.rel @!p0 .LBB2_9-.Ltmp1, $4  }
0x13: {  	[hbm4b:s8+s3] =	stream.linear.scatter [tilespmem:s0], [sflag:$0x4], $0x2710, $0x38;
	[tilespmem:$0x1D970] =	vst v63  }
0x14: {  	_ =	swait.ge [sflag:s13], $0x2710  }
0x15: {  	[sflag:s13] =	ssyncset.done $0x0  }
0x16: {  	[sflag:s13] =	ssyncadd.s32 $0xFFFFD8F0  }
.LBB2_1:
0x17: {  	s10 =	simm.s32 $0x9C40  }
0x18: {  	[tilespmem:s10], [sflag:$0x1] =	stream.linear.gather [hbm4b:s4+s3], $0x2710, $0x38;
	[tilespmem:$0x1D970] =	vst v63  }
0x19: {  	s11 =	simm.s32 $0xC350  }
0x1a: {  	[tilespmem:s11], [sflag:$0x1] =	stream.linear.gather [hbm4b:s5+s3], $0x2710, $0x38;
	[tilespmem:$0x1D970] =	vst v63  }
0x1b: {  	[spmem:s12], [sflag:s7] =	dma.local [hbm:s6], $0x1388  }
0x1c: {  	_ =	swait.ge [sflag:s13], $0x1388  }
0x1d: {  	[sflag:s13] =	ssyncset.done $0x0  }
0x1e: {  	[sflag:s13] =	ssyncadd.s32 $0xFFFFEC78  }
0x1f: {  	_ =	swait.ge [sflag:s14], $0x2710  }
0x20: {  	[sflag:s14] =	ssyncset.done $0x0  }
0x21: {  	[sflag:s14] =	ssyncadd.s32 $0xFFFFD8F0  }
0x22: {  	_ =	swait.ge [sflag:s14], $0x2710  }
0x23: {  	[sflag:s14] =	ssyncset.done $0x0  }
0x24: {  	[sflag:s14] =	ssyncadd.s32 $0xFFFFD8F0  }
0x25: {  	[bflag:$0x0] =	sbarrier.arrive $0xFFFF  }
0x26: {  	[tilespmem:s16], [sflag:$0x2] =	stream.indirect.gather [spmem:s2], $0x40, s10, s15, $0xb8;
	[tilespmem:$0x1D970] =	vst v63  }
0x27: {  	_ = 	snop  }
0x28: {  	[tilespmem:s17], [sflag:$0x2] =	stream.indirect.gather [spmem:s2], $0x40, s11, s15, $0xb8;
	[tilespmem:$0x1D970] =	vst v63  }
0x29: {  	s28 =	simm.s32 $0x9CA8;
	s30 =	simm.s32 $0x10460  }
0x2a: {  	[tilespmem:s30], [sflag:$0x2] =	stream.indirect.gather [spmem:s2], $0x40, s28, s18, $0xb8;
	[tilespmem:$0x1D970] =	vst v63  }
0x2b: {  	s21 =	simm.s32 $0xC3B8;
	s22 =	simm.s32 $0x13660  }
0x2c: {  	[tilespmem:s22], [sflag:$0x2] =	stream.indirect.gather [spmem:s2], $0x40, s21, s18, $0xb8;
	[tilespmem:$0x1D970] =	vst v63  }
0x2d: {  	s23 =	simm.s32 $0x9D08  }
0x2e: {  	[tilespmem:s24], [sflag:$0x3] =	stream.indirect.gather [spmem:s2], $0x40, s23, s15, $0xb8;
	[tilespmem:$0x1D970] =	vst v63  }
0x2f: {  	s25 =	simm.s32 $0xC418  }
0x30: {  	[tilespmem:s26], [sflag:$0x3] =	stream.indirect.gather [spmem:s2], $0x40, s25, s15, $0xb8;
	[tilespmem:$0x1D970] =	vst v63  }
0x31: {  	s28 =	simm.s32 $0x9D70  }
0x32: {  	[tilespmem:s29], [sflag:$0x3] =	stream.indirect.gather [spmem:s2], $0x40, s28, s18, $0xb8;
	[tilespmem:$0x1D970] =	vst v63  }
0x33: {  	s30 =	simm.s32 $0xC480;
	s21 =	simm.s32 $0x0  }
0x34: {  	[tilespmem:s31], [sflag:$0x3] =	stream.indirect.gather [spmem:s2], $0x40, s30, s18, $0xb8;
	[tilespmem:$0x1D970] =	vst v63  }
.LBB2_2:
0x35: {  	_ =	swait.ge [sflag:s1], $0x1A00  }
0x36: {  	[sflag:s1] =	ssyncset.done $0x0  }
0x37: {  	[sflag:s1] =	ssyncadd.s32 $0xFFFFE600  }
0x38: {  	_ =	swait.ge [sflag:s1], $0x1A00  }
0x39: {  	[sflag:s1] =	ssyncset.done $0x0  }
0x3a: {  	[sflag:s1] =	ssyncadd.s32 $0xFFFFE600  }
0x3b: {  	s10 =	simm.s32 $0x40;
	_ =	swait.ge [sflag:s1], $0x1800  }
0x3c: {  	s11 =	simm.s32 $0x0;
	v4 =	vor.u32 s10, v0;
	[sflag:s1] =	ssyncset.done $0x0  }
0x3d: {  	v5 =	vor.u32 s11, v0;
	[sflag:s1] =	ssyncadd.s32 $0xFFFFE800  }
0x3e: {  	_ =	swait.ge [sflag:s1], $0x1800  }
0x3f: {  	v6 =	vor.u32 s11, v1;
	[sflag:s1] =	ssyncset.done $0x0  }
0x40: {  	[sflag:s1] =	ssyncadd.s32 $0xFFFFE800  }
0x41: {  	v7 =	vor.u32 s11, v2;
	v8 =	vld.idx.msk [tilespmem:v4+s16+$0x0], $0xffff  }
0x42: {  	v9 =	vld.idx.msk [tilespmem:v5+s16+$0x0], $0xffff  }
0x43: {  	v10 =	vor.u32 s11, v3;
	v5 =	vld.idx.msk [tilespmem:v5+s17+$0x0], $0xffff  }
0x44: {  	v11 =	vld.idx.msk [tilespmem:v6+s16+$0x0], $0xffff  }
0x45: {  	v6 =	vld.idx.msk [tilespmem:v6+s17+$0x0], $0xffff  }
0x46: {  	v12 =	vor.u32 s10, v1;
	v13 =	vld.idx.msk [tilespmem:v7+s16+$0x0], $0xffff  }
0x47: {  	v7 =	vld.idx.msk [tilespmem:v7+s17+$0x0], $0xffff  }
0x48: {  	v14 =	vor.u32 s10, v2;
	v15 =	vld.idx.msk [tilespmem:v10+s16+$0x0], $0xffff  }
0x49: {  	v16 =	vor.u32 s10, v3;
	v10 =	vld.idx.msk [tilespmem:v10+s17+$0x0], $0xffff  }
0x4a: {  	v4 =	vld.idx.msk [tilespmem:v4+s17+$0x0], $0xffff  }
0x4b: {  	v17 =	vld.idx.msk [tilespmem:v12+s16+$0x0], $0xffff  }
0x4c: {  	s22 =	simm.s32 $0x80;
	v12 =	vld.idx.msk [tilespmem:v12+s17+$0x0], $0xffff;
	v5 =	vmul.bf16 v5, v9;
	v6 =	vmul.bf16 v6, v11  }
0x4d: {  	v19 =	vor.u32 s22, v0;
	v20 =	vld.idx.msk [tilespmem:v14+s16+$0x0], $0xffff  }
0x4e: {  	s25 =	simm.s32 $0xC0;
	v11 =	vld.idx.msk [tilespmem:v16+s16+$0x0], $0xffff;
	v7 =	vmul.bf16 v7, v13;
	v6 =	vadd.bf16 v6, v5  }
0x4f: {  	v18 =	vor.u32 s25, v0;
	v16 =	vld.idx.msk [tilespmem:v16+s17+$0x0], $0xffff  }
0x50: {  	v14 =	vld.idx.msk [tilespmem:v14+s17+$0x0], $0xffff;
	v9 =	vor.u32 s22, v1;
	v6 =	vadd.bf16 v7, v6;
	v7 =	vmul.bf16 v10, v15;
	_ =	sdelay $0x1  }
0x51: {  	v13 =	vor.u32 s22, v2;
	v4 =	vmul.bf16 v4, v8;
	v8 =	vld.idx.msk [tilespmem:v19+s16+$0x0], $0xffff;
	v6 =	vadd.bf16 v7, v6  }
0x52: {  	v12 =	vmul.bf16 v12, v17;
	v17 =	vld.idx.msk [tilespmem:v19+s17+$0x0], $0xffff;
	v19 =	vor.u32 s22, v3  }
0x53: {  	v5 =	vld.idx.msk [tilespmem:v18+s16+$0x0], $0xffff;
	v7 =	vmul.bf16 v16, v11;
	v11 =	vunpack.i.u.bf16.f32 v6;
	v6 =	vunpack.i.l.bf16.f32 v6  }
0x54: {  	v4 =	vadd.bf16 v12, v4;
	v12 =	vmul.bf16 v14, v20;
	v10 =	vld.idx.msk [tilespmem:v9+s16+$0x0], $0xffff;
	v20 =	vadd.f32 v6, v11  }
0x55: {  	v9 =	vld.idx.msk [tilespmem:v9+s17+$0x0], $0xffff  }
0x56: {  	s22 =	smul.u32 $0x190, s21;
	v14 =	vor.u32 s25, v1;
	v4 =	vadd.bf16 v12, v4;
	v15 =	vld.idx.msk [tilespmem:v13+s16+$0x0], $0xffff;
	(xrf2) =	vadd.scan.msk.f32 $0xffff, v20  }
0x57: {  	v13 =	vld.idx.msk [tilespmem:v13+s17+$0x0], $0xffff  }
0x58: {  	s23 =	sadd.s32 $0x0, s22;
	v21 =	vld.idx.msk [tilespmem:v19+s16+$0x0], $0xffff;
	v16 =	vor.u32 s25, v2;
	v12 =	vadd.bf16 v7, v4  }
0x59: {  	v22 =	vld.idx.msk [tilespmem:v19+s17+$0x0], $0xffff;
	v17 =	vmul.bf16 v17, v8;
	v7 =	vor.u32 s25, v3;
	v4 =	vmov s23  }
0x5a: {  	v6 =	vand.u32 $0xFFFFFFFE, v4;
	v11 =	vld.idx.msk [tilespmem:v18+s17+$0x0], $0xffff;
	v18 =	vunpack.i.u.bf16.f32 v12;
	v19 =	vunpack.i.l.bf16.f32 v12  }
0x5b: {  	s28 =	simm.s32 $0x140;
	v9 =	vmul.bf16 v9, v10;
	v12 =	vld.idx.msk [tilespmem:v14+s16+$0x0], $0xffff;
	v6 =	vbroadcast v6, $0x0;
	v19 =	vadd.f32 v19, v18  }
0x5c: {  	s10 =	simm.s32 $0x100;
	v8 =	vor.u32 s28, v1;
	v10 =	vor.u32 s28, v0;
	v14 =	vld.idx.msk [tilespmem:v14+s17+$0x0], $0xffff  }
0x5d: {  	s25 =	sadd.s32 $0x1, s23;
	v15 =	vmul.bf16 v13, v15;
	v13 =	vld.idx.msk [tilespmem:v16+s16+$0x0], $0xffff;
	v18 =	vor.u32 s10, v0;
	v23 =	vadd.bf16 v9, v17;
	(xrf2) =	vadd.scan.msk.f32 $0xffff, v19  }
0x5e: {  	v4 =	vmov s25;
	v21 =	vmul.bf16 v22, v21;
	v16 =	vld.idx.msk [tilespmem:v16+s17+$0x0], $0xffff;
	v9 =	vor.u32 s28, v2  }
0x5f: {  	s30 =	simm.s32 $0x6;
	s23 =	simm.s32 $0x4;
	s25 =	simm.s32 $0x2;
	v17 =	vor.u32 s28, v3;
	v19 =	vor.u32 s10, v1;
	v20 =	vadd.bf16 v15, v23;
	v15 =	vld.idx.msk [tilespmem:v7+s16+$0x0], $0xffff  }
.LBB2_3:
0x60: {  	p0 =	slt.u32 s30, $0xC6;
	v11 =	vmul.bf16 v11, v5;
	v22 =	vld.idx.msk [tilespmem:v7+s17+$0x0], $0xffff;
	v23, _, _ =	vpop (xrf2);
	v7 =	vmov v17  }
0x61: {  	v17 =	vor.u32 s10, v2;
	v5 =	vld.idx.msk [tilespmem:v10+s16+$0x0], $0xffff;
	v20 =	vadd.bf16 v21, v20;
	[tilespmem:v6+s0+$0x0] =	vst.idx.msk vm0, v23  }
0x62: {  	v6 =	vmul.bf16 v14, v12;
	v21 =	vld.idx.msk [tilespmem:v18+s16+$0x0], $0xffff  }
0x63: {  	v14 =	vor.u32 s10, v3;
	v12 =	vld.idx.msk [tilespmem:v18+s17+$0x0], $0xffff;
	v18 =	vunpack.i.u.bf16.f32 v20;
	v20 =	vunpack.i.l.bf16.f32 v20  }
0x64: {  	v6 =	vadd.bf16 v6, v11;
	v11 =	vmul.bf16 v16, v13;
	v23 =	vld.idx.msk [tilespmem:v19+s16+$0x0], $0xffff;
	v18 =	vadd.f32 v20, v18  }
0x65: {  	v13 =	vld.idx.msk [tilespmem:v19+s17+$0x0], $0xffff  }
0x66: {  	v6 =	vadd.bf16 v11, v6;
	v11 =	vmul.bf16 v22, v15;
	v16 =	vld.idx.msk [tilespmem:v17+s16+$0x0], $0xffff;
	(xrf2) =	vadd.scan.msk.f32 $0xffff, v18  }
0x67: {  	s10 =	sadd.s32 s22, s25;
	s25 =	smov.u32 s23;
	s23 =	smov.u32 s30;
	v15 =	vld.idx.msk [tilespmem:v17+s17+$0x0], $0xffff;
	v17, _, _ =	vpop (xrf2)  }
0x68: {  	v18 =	vmov s10;
	s10 =	sadd.s32 $0x1, s10;
	v19 =	vadd.bf16 v11, v6;
	v22 =	vld.idx.msk [tilespmem:v14+s16+$0x0], $0xffff;
	[tilespmem:v4+s0+$0x0] =	vst.idx.msk vm0, v17  }
0x69: {  	v6 =	vand.u32 $0xFFFFFFFE, v18;
	v4 =	vmov s10;
	v24 =	vld.idx.msk [tilespmem:v14+s17+$0x0], $0xffff  }
0x6a: {  	v6 =	vbroadcast v6, $0x0;
	v14 =	vunpack.i.l.bf16.f32 v19;
	v11 =	vld.idx.msk [tilespmem:v10+s17+$0x0], $0xffff;
	v10 =	vunpack.i.u.bf16.f32 v19  }
.Ltmp2:
0x6b: {  	s28 =	sadd.s32 $0x80, s28;
	v17 =	vmul.bf16 v12, v21;
	v13 =	vmul.bf16 v13, v23;
	v12 =	vld.idx.msk [tilespmem:v8+s16+$0x0], $0xffff;
	v19 =	vadd.f32 v14, v10;
	(pc) =	sbr.rel @p0 .LBB2_3-.Ltmp2, $4  }
0x6c: {  	v20 =	vor.u32 s28, v2;
	s10 =	sadd.s32 $0xFFFFFFC0, s28;
	v10 =	vor.u32 s28, v0;
	v14 =	vld.idx.msk [tilespmem:v8+s17+$0x0], $0xffff;
	v8 =	vor.u32 s28, v1  }
0x6d: {  	v18 =	vor.u32 s10, v0;
	v21 =	vadd.bf16 v13, v17;
	v15 =	vmul.bf16 v15, v16;
	v13 =	vld.idx.msk [tilespmem:v9+s16+$0x0], $0xffff;
	(xrf2) =	vadd.scan.msk.f32 $0xffff, v19  }
0x6e: {  	v17 =	vor.u32 s28, v3;
	v16 =	vld.idx.msk [tilespmem:v9+s17+$0x0], $0xffff;
	v9 =	vmov v20  }
0x6f: {  	s30 =	sadd.s32 $0x2, s30;
	v19 =	vor.u32 s10, v1;
	v20 =	vadd.bf16 v15, v21;
	v21 =	vmul.bf16 v24, v22;
	v15 =	vld.idx.msk [tilespmem:v7+s16+$0x0], $0xffff  }
0x70: {  	_ =	sdelay $0x3  }
0x71: {  	v7 =	vld.idx.msk [tilespmem:v7+s17+$0x0], $0xffff  }
0x72: {  	v23 =	vld.idx.msk [tilespmem:v10+s16+$0x0], $0xffff  }
0x73: {  	v24 =	vld.idx.msk [tilespmem:v18+s16+$0x0], $0xffff  }
0x74: {  	v18 =	vld.idx.msk [tilespmem:v18+s17+$0x0], $0xffff  }
0x75: {  	v26 =	vld.idx.msk [tilespmem:v19+s16+$0x0], $0xffff  }
0x76: {  	v19 =	vld.idx.msk [tilespmem:v19+s17+$0x0], $0xffff  }
0x77: {  	v10 =	vld.idx.msk [tilespmem:v10+s17+$0x0], $0xffff  }
0x78: {  	v22 =	vor.u32 s10, v2;
	v29 =	vld.idx.msk [tilespmem:v8+s16+$0x0], $0xffff  }
0x79: {  	v8 =	vld.idx.msk [tilespmem:v8+s17+$0x0], $0xffff  }
0x7a: {  	v25 =	vor.u32 s10, v3;
	v30 =	vld.idx.msk [tilespmem:v9+s16+$0x0], $0xffff  }
0x7b: {  	v9 =	vld.idx.msk [tilespmem:v9+s17+$0x0], $0xffff  }
0x7c: {  	v5 =	vmul.bf16 v11, v5;
	v11 =	vmul.bf16 v14, v12;
	v14 =	vld.idx.msk [tilespmem:v17+s16+$0x0], $0xffff  }
0x7d: {  	v27 =	vld.idx.msk [tilespmem:v22+s16+$0x0], $0xffff  }
0x7e: {  	v22 =	vld.idx.msk [tilespmem:v22+s17+$0x0], $0xffff  }
0x7f: {  	v28 =	vld.idx.msk [tilespmem:v25+s16+$0x0], $0xffff  }
0x80: {  	v12 =	vadd.bf16 v21, v20;
	v13 =	vmul.bf16 v16, v13;
	v25 =	vld.idx.msk [tilespmem:v25+s17+$0x0], $0xffff  }
0x81: {  	v17 =	vld.idx.msk [tilespmem:v17+s17+$0x0], $0xffff;
	v5 =	vadd.bf16 v11, v5;
	v11 =	vmul.bf16 v18, v24;
	v16 =	vmul.bf16 v19, v26  }
0x82: {  	v10 =	vmul.bf16 v10, v23;
	v8 =	vmul.bf16 v8, v29;
	v18 =	vunpack.i.u.bf16.f32 v12  }
0x83: {  	v5 =	vadd.bf16 v13, v5;
	v11 =	vadd.bf16 v16, v11;
	v13 =	vmul.bf16 v22, v27  }
0x84: {  	v7 =	vmul.bf16 v7, v15;
	v9 =	vmul.bf16 v9, v30;
	v8 =	vadd.bf16 v8, v10  }
0x85: {  	v10 =	vunpack.i.l.bf16.f32 v12;
	v12 =	vmul.bf16 v25, v28;
	v11 =	vadd.bf16 v13, v11  }
0x86: {  	v5 =	vadd.bf16 v7, v5;
	v7 =	vadd.bf16 v9, v8;
	v8 =	vmul.bf16 v17, v14  }
0x87: {  	v9 =	vadd.f32 v10, v18;
	v10 =	vadd.bf16 v12, v11  }
0x88: {  	v7 =	vadd.bf16 v8, v7;
	v11 =	vunpack.i.u.bf16.f32 v5;
	v5 =	vunpack.i.l.bf16.f32 v5  }
0x89: {  	v5 =	vadd.f32 v5, v11;
	v8 =	vunpack.i.u.bf16.f32 v10;
	v10 =	vunpack.i.l.bf16.f32 v10  }
0x8a: {  	(xrf2) =	vadd.scan.msk.f32 $0xffff, v9;
	v9 =	vunpack.i.u.bf16.f32 v7;
	v7 =	vunpack.i.l.bf16.f32 v7;
	v8 =	vadd.f32 v10, v8  }
0x8b: {  	(xrf2) =	vadd.scan.msk.f32 $0xffff, v5;
	v5 =	vadd.f32 v7, v9  }
0x8c: {  	s25 =	sadd.s32 s22, s25;
	(xrf2) =	vadd.scan.msk.f32 $0xffff, v8  }
0x8d: {  	v7 =	vmov s25;
	(xrf2) =	vadd.scan.msk.f32 $0xffff, v5  }
0x8e: {  	s11 =	sadd.s32 s22, s23;
	v5 =	vand.u32 $0xFFFFFFFE, v7  }
0x8f: {  	v7 =	vmov s11;
	v5 =	vbroadcast v5, $0x0  }
0x90: {  	s10 =	sadd.s32 $0x1, s25;
	v7 =	vand.u32 $0xFFFFFFFE, v7  }
0x91: {  	v8 =	vmov s10;
	v7 =	vbroadcast v7, $0x0  }
0x92: {  	v9, _, _ =	vpop (xrf2);
	s11 =	sadd.s32 $0x1, s11  }
0x93: {  	[tilespmem:v6+s0+$0x0] =	vst.idx.msk vm0, v9;
	v10, _, _ =	vpop (xrf2);
	v6 =	vmov s11  }
0x94: {  	[tilespmem:v4+s0+$0x0] =	vst.idx.msk vm0, v10;
	v9, _, _ =	vpop (xrf2)  }
0x95: {  	v4, _, _ =	vpop (xrf2);
	[tilespmem:v5+s0+$0x0] =	vst.idx.msk vm0, v9  }
0x96: {  	[tilespmem:v8+s0+$0x0] =	vst.idx.msk vm0, v4;
	v4, _, _ =	vpop (xrf2)  }
0x97: {  	p0 =	seq.s32 s21, $0x18;
	[tilespmem:v7+s0+$0x0] =	vst.idx.msk vm0, v4;
	v4, _, _ =	vpop (xrf2)  }
0x98: {  	s23 =	simm.s32 @!p0 $0xEA60;
	s10 =	sadd.s32 @!p0 $0x9DD0, s22;
	s11 =	simm.s32 @!p0 $0x68;
	[tilespmem:v6+s0+$0x0] =	vst.idx.msk vm0, v4  }
0x99: {  	[tilespmem:s23], [sflag:$0x2] =	stream.indirect.gather @!p0 [spmem:s2], $0x40, s10, s11, $0xb8;
	[tilespmem:$0x1D970] =	vst v63  }
0x9a: {  	s10 =	sadd.s32 @!p0 $0xC4E0, s22;
	s23 =	simm.s32 @!p0 $0x11C60  }
0x9b: {  	[tilespmem:s23], [sflag:$0x2] =	stream.indirect.gather @!p0 [spmem:s2], $0x40, s10, s11, $0xb8;
	[tilespmem:$0x1D970] =	vst v63  }
0x9c: {  	s10 =	sadd.s32 @!p0 $0x9E38, s22;
	s11 =	simm.s32 @!p0 $0x60;
	s23 =	simm.s32 @!p0 $0x10460  }
0x9d: {  	[tilespmem:s23], [sflag:$0x2] =	stream.indirect.gather @!p0 [spmem:s2], $0x40, s10, s11, $0xb8;
	[tilespmem:$0x1D970] =	vst v63  }
0x9e: {  	s10 =	sadd.s32 @!p0 $0xC548, s22;
	s23 =	simm.s32 @!p0 $0x13660  }
0x9f: {  	[tilespmem:s23], [sflag:$0x2] =	stream.indirect.gather @!p0 [spmem:s2], $0x40, s10, s11, $0xb8;
	[tilespmem:$0x1D970] =	vst v63  }
0xa0: {  	_ =	swait.ge [sflag:s19], $0x1A00  }
0xa1: {  	[sflag:s19] =	ssyncset.done $0x0  }
0xa2: {  	[sflag:s19] =	ssyncadd.s32 $0xFFFFE600  }
0xa3: {  	_ =	swait.ge [sflag:s19], $0x1A00  }
0xa4: {  	[sflag:s19] =	ssyncset.done $0x0  }
0xa5: {  	[sflag:s19] =	ssyncadd.s32 $0xFFFFE600  }
0xa6: {  	s23 =	simm.s32 $0x40;
	_ =	swait.ge [sflag:s19], $0x1800  }
0xa7: {  	s25 =	simm.s32 $0x0;
	v4 =	vor.u32 s23, v0;
	[sflag:s19] =	ssyncset.done $0x0  }
0xa8: {  	v5 =	vor.u32 s25, v0;
	[sflag:s19] =	ssyncadd.s32 $0xFFFFE800  }
0xa9: {  	_ =	swait.ge [sflag:s19], $0x1800  }
0xaa: {  	v6 =	vor.u32 s25, v1;
	[sflag:s19] =	ssyncset.done $0x0  }
0xab: {  	[sflag:s19] =	ssyncadd.s32 $0xFFFFE800  }
0xac: {  	v7 =	vor.u32 s25, v2;
	v8 =	vld.idx.msk [tilespmem:v4+s24+$0x0], $0xffff  }
0xad: {  	v9 =	vld.idx.msk [tilespmem:v5+s24+$0x0], $0xffff  }
0xae: {  	v10 =	vor.u32 s25, v3;
	v5 =	vld.idx.msk [tilespmem:v5+s26+$0x0], $0xffff  }
0xaf: {  	v11 =	vld.idx.msk [tilespmem:v6+s24+$0x0], $0xffff  }
0xb0: {  	v6 =	vld.idx.msk [tilespmem:v6+s26+$0x0], $0xffff  }
0xb1: {  	v12 =	vor.u32 s23, v1;
	v13 =	vld.idx.msk [tilespmem:v7+s24+$0x0], $0xffff  }
0xb2: {  	v7 =	vld.idx.msk [tilespmem:v7+s26+$0x0], $0xffff  }
0xb3: {  	v14 =	vor.u32 s23, v2;
	v15 =	vld.idx.msk [tilespmem:v10+s24+$0x0], $0xffff  }
0xb4: {  	v16 =	vor.u32 s23, v3;
	v10 =	vld.idx.msk [tilespmem:v10+s26+$0x0], $0xffff  }
0xb5: {  	v4 =	vld.idx.msk [tilespmem:v4+s26+$0x0], $0xffff  }
0xb6: {  	v17 =	vld.idx.msk [tilespmem:v12+s24+$0x0], $0xffff  }
0xb7: {  	s23 =	simm.s32 $0x80;
	v12 =	vld.idx.msk [tilespmem:v12+s26+$0x0], $0xffff;
	v5 =	vmul.bf16 v5, v9;
	v6 =	vmul.bf16 v6, v11  }
0xb8: {  	v19 =	vor.u32 s23, v0;
	v20 =	vld.idx.msk [tilespmem:v14+s24+$0x0], $0xffff  }
0xb9: {  	s10 =	simm.s32 $0xC0;
	v11 =	vld.idx.msk [tilespmem:v16+s24+$0x0], $0xffff;
	v7 =	vmul.bf16 v7, v13;
	v6 =	vadd.bf16 v6, v5  }
0xba: {  	v18 =	vor.u32 s10, v0;
	v16 =	vld.idx.msk [tilespmem:v16+s26+$0x0], $0xffff  }
0xbb: {  	v14 =	vld.idx.msk [tilespmem:v14+s26+$0x0], $0xffff;
	v9 =	vor.u32 s23, v1;
	v6 =	vadd.bf16 v7, v6;
	v7 =	vmul.bf16 v10, v15;
	_ =	sdelay $0x1  }
0xbc: {  	v13 =	vor.u32 s23, v2;
	v4 =	vmul.bf16 v4, v8;
	v8 =	vld.idx.msk [tilespmem:v19+s24+$0x0], $0xffff;
	v6 =	vadd.bf16 v7, v6  }
0xbd: {  	v12 =	vmul.bf16 v12, v17;
	v17 =	vld.idx.msk [tilespmem:v19+s26+$0x0], $0xffff;
	v19 =	vor.u32 s23, v3  }
0xbe: {  	v5 =	vld.idx.msk [tilespmem:v18+s24+$0x0], $0xffff;
	v7 =	vmul.bf16 v16, v11;
	v11 =	vunpack.i.u.bf16.f32 v6;
	v6 =	vunpack.i.l.bf16.f32 v6  }
0xbf: {  	v4 =	vadd.bf16 v12, v4;
	v12 =	vmul.bf16 v14, v20;
	v10 =	vld.idx.msk [tilespmem:v9+s24+$0x0], $0xffff;
	v20 =	vadd.f32 v6, v11  }
0xc0: {  	v9 =	vld.idx.msk [tilespmem:v9+s26+$0x0], $0xffff  }
0xc1: {  	v14 =	vor.u32 s10, v1;
	v4 =	vadd.bf16 v12, v4;
	v15 =	vld.idx.msk [tilespmem:v13+s24+$0x0], $0xffff;
	(xrf2) =	vadd.scan.msk.f32 $0xffff, v20  }
0xc2: {  	s23 =	sadd.s32 $0xC8, s22;
	v13 =	vld.idx.msk [tilespmem:v13+s26+$0x0], $0xffff  }
0xc3: {  	s25 =	sadd.s32 $0x0, s23;
	v21 =	vld.idx.msk [tilespmem:v19+s24+$0x0], $0xffff;
	v16 =	vor.u32 s10, v2;
	v12 =	vadd.bf16 v7, v4  }
0xc4: {  	v22 =	vld.idx.msk [tilespmem:v19+s26+$0x0], $0xffff;
	v17 =	vmul.bf16 v17, v8;
	v7 =	vor.u32 s10, v3;
	v4 =	vmov s25  }
0xc5: {  	v6 =	vand.u32 $0xFFFFFFFE, v4;
	v11 =	vld.idx.msk [tilespmem:v18+s26+$0x0], $0xffff;
	v18 =	vunpack.i.u.bf16.f32 v12;
	v19 =	vunpack.i.l.bf16.f32 v12  }
0xc6: {  	s30 =	simm.s32 $0x140;
	v9 =	vmul.bf16 v9, v10;
	v12 =	vld.idx.msk [tilespmem:v14+s24+$0x0], $0xffff;
	v6 =	vbroadcast v6, $0x0;
	v19 =	vadd.f32 v19, v18  }
0xc7: {  	s11 =	simm.s32 $0x100;
	v8 =	vor.u32 s30, v1;
	v10 =	vor.u32 s30, v0;
	v14 =	vld.idx.msk [tilespmem:v14+s26+$0x0], $0xffff  }
0xc8: {  	s25 =	sadd.s32 $0x1, s25;
	v15 =	vmul.bf16 v13, v15;
	v13 =	vld.idx.msk [tilespmem:v16+s24+$0x0], $0xffff;
	v18 =	vor.u32 s11, v0;
	v23 =	vadd.bf16 v9, v17;
	(xrf2) =	vadd.scan.msk.f32 $0xffff, v19  }
0xc9: {  	v4 =	vmov s25;
	v21 =	vmul.bf16 v22, v21;
	v16 =	vld.idx.msk [tilespmem:v16+s26+$0x0], $0xffff;
	v9 =	vor.u32 s30, v2  }
0xca: {  	s28 =	simm.s32 $0x2;
	s10 =	simm.s32 $0x6;
	s25 =	simm.s32 $0x4;
	v17 =	vor.u32 s30, v3;
	v19 =	vor.u32 s11, v1;
	v20 =	vadd.bf16 v15, v23;
	v15 =	vld.idx.msk [tilespmem:v7+s24+$0x0], $0xffff  }
.LBB2_5:
0xcb: {  	p1 =	slt.u32 s10, $0xC6;
	v11 =	vmul.bf16 v11, v5;
	v22 =	vld.idx.msk [tilespmem:v7+s26+$0x0], $0xffff;
	v23, _, _ =	vpop (xrf2);
	v7 =	vmov v17  }
0xcc: {  	v17 =	vor.u32 s11, v2;
	v5 =	vld.idx.msk [tilespmem:v10+s24+$0x0], $0xffff;
	v20 =	vadd.bf16 v21, v20;
	[tilespmem:v6+s0+$0x0] =	vst.idx.msk vm0, v23  }
0xcd: {  	v6 =	vmul.bf16 v14, v12;
	v21 =	vld.idx.msk [tilespmem:v18+s24+$0x0], $0xffff  }
0xce: {  	v14 =	vor.u32 s11, v3;
	v12 =	vld.idx.msk [tilespmem:v18+s26+$0x0], $0xffff;
	v18 =	vunpack.i.u.bf16.f32 v20;
	v20 =	vunpack.i.l.bf16.f32 v20  }
0xcf: {  	v6 =	vadd.bf16 v6, v11;
	v11 =	vmul.bf16 v16, v13;
	v23 =	vld.idx.msk [tilespmem:v19+s24+$0x0], $0xffff;
	v18 =	vadd.f32 v20, v18  }
0xd0: {  	v13 =	vld.idx.msk [tilespmem:v19+s26+$0x0], $0xffff  }
0xd1: {  	v6 =	vadd.bf16 v11, v6;
	v11 =	vmul.bf16 v22, v15;
	v16 =	vld.idx.msk [tilespmem:v17+s24+$0x0], $0xffff;
	(xrf2) =	vadd.scan.msk.f32 $0xffff, v18  }
0xd2: {  	s11 =	sadd.s32 s23, s28;
	s28 =	smov.u32 s25;
	s25 =	smov.u32 s10;
	v15 =	vld.idx.msk [tilespmem:v17+s26+$0x0], $0xffff;
	v17, _, _ =	vpop (xrf2)  }
0xd3: {  	v18 =	vmov s11;
	s11 =	sadd.s32 $0x1, s11;
	v19 =	vadd.bf16 v11, v6;
	v22 =	vld.idx.msk [tilespmem:v14+s24+$0x0], $0xffff;
	[tilespmem:v4+s0+$0x0] =	vst.idx.msk vm0, v17  }
0xd4: {  	v6 =	vand.u32 $0xFFFFFFFE, v18;
	v4 =	vmov s11;
	v24 =	vld.idx.msk [tilespmem:v14+s26+$0x0], $0xffff  }
0xd5: {  	v6 =	vbroadcast v6, $0x0;
	v14 =	vunpack.i.l.bf16.f32 v19;
	v11 =	vld.idx.msk [tilespmem:v10+s26+$0x0], $0xffff;
	v10 =	vunpack.i.u.bf16.f32 v19  }
.Ltmp3:
0xd6: {  	s30 =	sadd.s32 $0x80, s30;
	v17 =	vmul.bf16 v12, v21;
	v13 =	vmul.bf16 v13, v23;
	v12 =	vld.idx.msk [tilespmem:v8+s24+$0x0], $0xffff;
	v19 =	vadd.f32 v14, v10;
	(pc) =	sbr.rel @p1 .LBB2_5-.Ltmp3, $4  }
0xd7: {  	v20 =	vor.u32 s30, v2;
	s11 =	sadd.s32 $0xFFFFFFC0, s30;
	v10 =	vor.u32 s30, v0;
	v14 =	vld.idx.msk [tilespmem:v8+s26+$0x0], $0xffff;
	v8 =	vor.u32 s30, v1  }
0xd8: {  	v18 =	vor.u32 s11, v0;
	v21 =	vadd.bf16 v13, v17;
	v15 =	vmul.bf16 v15, v16;
	v13 =	vld.idx.msk [tilespmem:v9+s24+$0x0], $0xffff;
	(xrf2) =	vadd.scan.msk.f32 $0xffff, v19  }
0xd9: {  	v17 =	vor.u32 s30, v3;
	v16 =	vld.idx.msk [tilespmem:v9+s26+$0x0], $0xffff;
	v9 =	vmov v20  }
0xda: {  	s10 =	sadd.s32 $0x2, s10;
	v19 =	vor.u32 s11, v1;
	v20 =	vadd.bf16 v15, v21;
	v21 =	vmul.bf16 v24, v22;
	v15 =	vld.idx.msk [tilespmem:v7+s24+$0x0], $0xffff  }
0xdb: {  	_ =	sdelay $0x3  }
0xdc: {  	v7 =	vld.idx.msk [tilespmem:v7+s26+$0x0], $0xffff  }
0xdd: {  	v23 =	vld.idx.msk [tilespmem:v10+s24+$0x0], $0xffff  }
0xde: {  	v24 =	vld.idx.msk [tilespmem:v18+s24+$0x0], $0xffff  }
0xdf: {  	v35 =	vld.idx.msk [tilespmem:v18+s26+$0x0], $0xffff  }
0xe0: {  	v26 =	vld.idx.msk [tilespmem:v19+s24+$0x0], $0xffff  }
0xe1: {  	v36 =	vld.idx.msk [tilespmem:v19+s26+$0x0], $0xffff  }
0xe2: {  	v37 =	vld.idx.msk [tilespmem:v10+s26+$0x0], $0xffff  }
0xe3: {  	v22 =	vor.u32 s11, v2;
	v29 =	vld.idx.msk [tilespmem:v8+s24+$0x0], $0xffff  }
0xe4: {  	v38 =	vld.idx.msk [tilespmem:v8+s26+$0x0], $0xffff  }
0xe5: {  	v25 =	vor.u32 s11, v3;
	v30 =	vld.idx.msk [tilespmem:v9+s24+$0x0], $0xffff  }
0xe6: {  	v40 =	vld.idx.msk [tilespmem:v9+s26+$0x0], $0xffff  }
0xe7: {  	v42 =	vld.idx.msk [tilespmem:v17+s24+$0x0], $0xffff  }
0xe8: {  	v27 =	vld.idx.msk [tilespmem:v22+s24+$0x0], $0xffff  }
0xe9: {  	v5 =	vmul.bf16 v11, v5;
	v39 =	vmul.bf16 v14, v12;
	v22 =	vld.idx.msk [tilespmem:v22+s26+$0x0], $0xffff  }
0xea: {  	v41 =	vadd.bf16 v21, v20;
	v28 =	vld.idx.msk [tilespmem:v25+s24+$0x0], $0xffff  }
0xeb: {  	v13 =	vmul.bf16 v16, v13;
	v5 =	vadd.bf16 v39, v5;
	v25 =	vld.idx.msk [tilespmem:v25+s26+$0x0], $0xffff  }
0xec: {  	v45 =	vld.idx.msk [tilespmem:v17+s26+$0x0], $0xffff;
	v46 =	vunpack.i.u.bf16.f32 v41;
	v43 =	vmul.bf16 v35, v24;
	v44 =	vmul.bf16 v36, v26  }
0xed: {  	v10 =	vmul.bf16 v37, v23;
	v8 =	vmul.bf16 v38, v29;
	v5 =	vadd.bf16 v13, v5  }
0xee: {  	v7 =	vmul.bf16 v7, v15;
	v11 =	vadd.bf16 v44, v43;
	v47 =	vmul.bf16 v22, v27  }
0xef: {  	v48 =	vunpack.i.l.bf16.f32 v41;
	v9 =	vmul.bf16 v40, v30;
	v8 =	vadd.bf16 v8, v10  }
0xf0: {  	v5 =	vadd.bf16 v7, v5;
	v49 =	vmul.bf16 v25, v28;
	v11 =	vadd.bf16 v47, v11  }
0xf1: {  	v52 =	vadd.f32 v48, v46;
	v51 =	vmul.bf16 v45, v42;
	v50 =	vadd.bf16 v9, v8  }
0xf2: {  	v54 =	vunpack.i.u.bf16.f32 v5;
	v5 =	vunpack.i.l.bf16.f32 v5;
	v53 =	vadd.bf16 v49, v11  }
0xf3: {  	v5 =	vadd.f32 v5, v54;
	v7 =	vadd.bf16 v51, v50  }
0xf4: {  	(xrf2) =	vadd.scan.msk.f32 $0xffff, v52;
	v55 =	vunpack.i.u.bf16.f32 v53;
	v10 =	vunpack.i.l.bf16.f32 v53  }
0xf5: {  	(xrf2) =	vadd.scan.msk.f32 $0xffff, v5;
	v56 =	vunpack.i.u.bf16.f32 v7;
	v7 =	vunpack.i.l.bf16.f32 v7;
	v8 =	vadd.f32 v10, v55  }
0xf6: {  	v5 =	vadd.f32 v7, v56  }
0xf7: {  	(xrf2) =	vadd.scan.msk.f32 $0xffff, v8  }
0xf8: {  	s10 =	sadd.s32 s23, s28;
	(xrf2) =	vadd.scan.msk.f32 $0xffff, v5  }
0xf9: {  	s28 =	sadd.s32 s23, s25;
	v57 =	vmov s10  }
0xfa: {  	v58 =	vmov s28;
	s10 =	sadd.s32 $0x1, s10;
	v5 =	vand.u32 $0xFFFFFFFE, v57  }
0xfb: {  	v59 =	vmov s10;
	v7 =	vand.u32 $0xFFFFFFFE, v58;
	v5 =	vbroadcast v5, $0x0  }
0xfc: {  	v60, _, _ =	vpop (xrf2);
	v7 =	vbroadcast v7, $0x0  }
0xfd: {  	s30 =	sadd.s32 $0x1, s28;
	v61, _, _ =	vpop (xrf2)  }
0xfe: {  	[tilespmem:v6+s0+$0x0] =	vst.idx.msk vm0, v60;
	v62 =	vmov s30;
	v63, _, _ =	vpop (xrf2)  }
.Ltmp4:
0xff: {  	[tilespmem:v4+s0+$0x0] =	vst.idx.msk vm0, v61;
	v4, _, _ =	vpop (xrf2);
	(pc) =	sbr.rel @p0 .LBB2_8-.Ltmp4, $4  }
0x100: {  	[tilespmem:v59+s0+$0x0] =	vst.idx.msk vm0, v4  }
0x101: {  	[tilespmem:v5+s0+$0x0] =	vst.idx.msk vm0, v63;
	v4, _, _ =	vpop (xrf2)  }
0x102: {  	[tilespmem:v7+s0+$0x0] =	vst.idx.msk vm0, v4;
	v4, _, _ =	vpop (xrf2)  }
0x103: {  	[tilespmem:v62+s0+$0x0] =	vst.idx.msk vm0, v4  }
0x104: {  	s10 =	sadd.s32 $0x9E98, s22  }
0x105: {  	[tilespmem:s24], [sflag:$0x3] =	stream.indirect.gather [spmem:s2], $0x40, s10, s15, $0xb8;
	[tilespmem:$0x1D970] =	vst v63  }
0x106: {  	s25 =	sadd.s32 $0xC5A8, s22  }
0x107: {  	[tilespmem:s26], [sflag:$0x3] =	stream.indirect.gather [spmem:s2], $0x40, s25, s15, $0xb8;
	[tilespmem:$0x1D970] =	vst v63  }
.Ltmp5:
0x108: {  	_ = 	snop;
	(pc) =	sbr.rel .LBB2_2-.Ltmp5, $4  }
0x109: {  	s28 =	sadd.s32 $0x9F00, s22  }
0x10a: {  	[tilespmem:s29], [sflag:$0x3] =	stream.indirect.gather [spmem:s2], $0x40, s28, s18, $0xb8;
	[tilespmem:$0x1D970] =	vst v63  }
0x10b: {  	s30 =	sadd.s32 $0xC610, s22;
	s21 =	sadd.s32 $0x1, s21  }
0x10c: {  	[tilespmem:s31], [sflag:$0x3] =	stream.indirect.gather [spmem:s2], $0x40, s30, s18, $0xb8;
	[tilespmem:$0x1D970] =	vst v63  }
.LBB2_9:
0x10d: {  	_ =	sfence.sel $0x180000  }
0x10e: {  	[bflag:$0x0] =	sbarrier.arrive $0xFFFF  }
0x10f: {  	_ =	strace $0x90000047  }
0x110: {  	s0 =	stileid.u32;
	[bflag:$0x2] =	sbarrier.arrive $0xFFFF  }
0x111: {  	p0 =	sne.s32 s0, $0x0;
	s0 =	rddreg [dreg:$0x3]  }
0x112: {  	s0 =	sadd.s32 @!p0 $0x100000, s0  }
0x113: {  	[sflag:s0] =	ssyncadd.tile.s32 @!p0 $0x1;
	_ =	shalt  }
.Lfunc_end2:
_tile_overlayer_lowered:
.L_overlay_start_2:
0x114: {  	(tag) =	ssettag $0x2  }
0x115: {  	s0 =	rddreg [dreg:$0x0];
	s2 =	stileid.u32  }
0x116: {  	s1 =	rddreg [dreg:$0x1];
	p0 =	sne.s32 s2, $0x0  }
0x117: {  	s3 =	rddreg [dreg:$0x2];
	[bflag:$0x3] =	sbarrier.arrive $0xFFFF;
	s2 =	simm.s32 @!p0 $0x1C04  }
0x118: {  	[timem:s3], [sflag:s2] =	dma.local @!p0 [hbm:s0], s1  }
0x119: {  	s0 =	simm.s32 @!p0 $0x4  }
0x11a: {  	_ =	swait.ge @!p0 [sflag:s0], s1  }
0x11b: {  	s1 =	ssub.s32 @!p0 $0x0, s1;
	[sflag:s0] =	ssyncset.done @!p0 $0x0  }
0x11c: {  	[sflag:s0] =	ssyncadd.s32 @!p0 s1  }
0x11d: {  	[bflag:$0x3] =	sbarrier.arrive $0xFFFF  }
0x11e: {  	_ =	shalt  }

</sc_bundles>
